<compile_context>
chip_gen: v7x
topology: tpu7x:2x2x1
jax: 0.10.2.dev20260603
libtpu: 0.0.44.dev20260713+nightly
codegen_flags: <defaults>
</compile_context>

<pallas_src>
import functools

import jax
import jax.numpy as jnp
from jax import lax
from jax.experimental import pallas as pl
from jax.experimental.pallas import tpu as pltpu
from jax.experimental.pallas import tpu_sc as plsc

_NC, _NS = 2, 16
_NW = _NC * _NS
_NBUF = 2


def _sc_gather_planes(img3, widx, n_planes, H, W):
    per_w = n_planes // _NW
    mesh = plsc.VectorSubcoreMesh(core_axis_name="c", subcore_axis_name="s")

    @functools.partial(
        pl.kernel,
        out_type=jax.ShapeDtypeStruct((n_planes, H, W), jnp.float32),
        mesh=mesh,
        scratch_types=(
            [pltpu.VMEM((widx.shape[1],), jnp.int32)]
            + [pltpu.VMEM((1, H, W), jnp.float32) for _ in range(_NBUF)]
            + [pltpu.SemaphoreType.DMA((_NBUF,)),
               pltpu.SemaphoreType.DMA((_NBUF,))]
        ),
    )
    def k(img_hbm, widx_hbm, out_hbm, iv, *rest):
        bufs, gsem, ssem = rest[:_NBUF], rest[_NBUF], rest[_NBUF + 1]
        wid = lax.axis_index("s") * _NC + lax.axis_index("c")
        pltpu.sync_copy(widx_hbm.at[wid], iv)
        vec = iv[...]

        def start_gather(i, slot):
            c = pltpu.make_async_copy(
                img_hbm.at[pl.ds(vec[i], 1)], bufs[slot], gsem.at[slot])
            c.start()
            return c

        def start_scatter(i, slot):
            c = pltpu.make_async_copy(
                bufs[slot], out_hbm.at[pl.ds(wid * per_w + i, 1)],
                ssem.at[slot])
            c.start()
            return c

        gathers = [None] * per_w
        scatters = [None] * per_w
        for t in range(min(_NBUF, per_w)):
            gathers[t] = start_gather(t, t)
        for t in range(per_w):
            slot = t % _NBUF
            gathers[t].wait()
            scatters[t] = start_scatter(t, slot)
            if t + _NBUF < per_w:
                scatters[t].wait()
                gathers[t + _NBUF] = start_gather(t + _NBUF, slot)
        for t in range(max(0, per_w - _NBUF), per_w):
            scatters[t].wait()

    return k(img3, widx)


def _worker_plane_rows(indices, B, V, C, n):
    base = (jnp.arange(B, dtype=jnp.int32)[:, None] * V + indices) * C
    rows = base[:, :, None] + jnp.arange(C, dtype=jnp.int32)[None, None, :]
    flat = rows.reshape(_NW, -1)
    per_w = flat.shape[1]
    pad = (-per_w) % 16
    return jnp.pad(flat, ((0, 0), (0, pad)))


def _tc_copy_body(idx_ref, in_ref, out_ref):
    out_ref[...] = in_ref[...]


def _tc_gather_views(image, indices, n):
    B, V, C, H, W = image.shape
    return pl.pallas_call(
        _tc_copy_body,
        grid_spec=pltpu.PrefetchScalarGridSpec(
            num_scalar_prefetch=1,
            grid=(B, n),
            in_specs=[pl.BlockSpec((1, 1, C, H, W),
                                   lambda b, v, idx: (b, idx[b, v], 0, 0, 0))],
            out_specs=pl.BlockSpec((1, 1, C, H, W),
                                   lambda b, v, idx: (b, v, 0, 0, 0)),
        ),
        out_shape=jax.ShapeDtypeStruct((B, n, C, H, W), image.dtype),
    )(indices, image)


def kernel(image, context_indices, target_indices):
    B, V, C, H, W = image.shape
    n_in = context_indices.shape[1]
    n_tg = target_indices.shape[1]
    img3 = image.reshape(B * V * C, H, W)
    widx_in = _worker_plane_rows(context_indices, B, V, C, n_in)
    out_in = _sc_gather_planes(img3, widx_in, B * n_in * C, H, W)
    input_image = out_in.reshape(B, n_in, C, H, W)
    target_image = _tc_gather_views(image, target_indices, n_tg)
    return (input_image, target_image, context_indices, target_indices)

# --- scband reference (transcript-rebuilt; emitter-appended) ---
"""Pipeline reference for scband-split-data-2439541424586 (READ-ONLY COPY).

The authoritative reference and input builder live on the scoring server;
editing this copy changes nothing except your own understanding.
"""

import jax, jax.numpy as jnp
import numpy as np


def setup_inputs(seed: int = 0) -> dict:
    key = jax.random.key(seed)
    k1, k2 = jax.random.split(key, 2)
    B, V, C, H, W = 8, 24, 3, 224, 224
    num_input_views, num_target_views = 16, 8
    image = jax.random.normal(k1, (B, V, C, H, W), dtype=jnp.float32)
    # Build disjoint, sorted context/target index sets per batch element,
    # mirroring the module's get_random_index / provided-indices semantics.
    base = jnp.tile(jnp.arange(V, dtype=jnp.int32)[None, :], (B, 1))
    perms = jax.random.permutation(k2, base, axis=1, independent=True)
    context_indices = jnp.sort(perms[:, :num_input_views], axis=1)
    target_indices = jnp.sort(perms[:, num_input_views:num_input_views + num_target_views], axis=1)
    return {"image": image, "context_indices": context_indices, "target_indices": target_indices}


def reference(image, context_indices, target_indices):
    # Faithful translation of SplitData.forward when 'context_indices' and
    # 'target_indices' are present in data_batch: a batched gather along the
    # view dimension using advanced indexing with a batch index column.
    B = image.shape[0]
    batch_idx = jnp.arange(B)[:, None]
    input_image = image[batch_idx, context_indices]   # [B, num_input_views, C, H, W]
    target_image = image[batch_idx, target_indices]   # [B, num_target_views, C, H, W]
    return (input_image, target_image, context_indices, target_indices)

if __name__ == "__main__":
    import jax
    _d = setup_inputs()
    print(jax.jit(kernel)(*tuple(_d.values())))

</pallas_src>

<mosaic_0001>
#map = affine_map<(d0, d1) -> (0, 0, 0)>
#map1 = affine_map<(d0, d1) -> (0, 0)>
module attributes {stable_mosaic.version = 14 : i64} {
  func.func @k(%arg0: i32, %arg1: i32, %arg2: memref<576x224x224xf32, #tpu.memory_space<hbm>>, %arg3: memref<32x16xi32, #tpu.memory_space<hbm>>, %arg4: memref<384x224x224xf32, #tpu.memory_space<hbm>>, %arg5: memref<16xi32, #tpu.memory_space<vmem>>, %arg6: memref<1x224x224xf32, #tpu.memory_space<vmem>>, %arg7: memref<1x224x224xf32, #tpu.memory_space<vmem>>, %arg8: memref<2x!tpu.dma_semaphore, #tpu.memory_space<semaphore_mem>>, %arg9: memref<2x!tpu.dma_semaphore, #tpu.memory_space<semaphore_mem>>) attributes {dimension_semantics = [#tpu.dimension_semantics<core_parallel>, #tpu.dimension_semantics<subcore_parallel>], iteration_bounds = array<i64: 2, 16>, scalar_prefetch = 0 : i64, scratch_operands = 5 : i64, tpu.core_type = #tpu.core_type<sc_vector_subcore>, window_params = [{transform_indices = #map}, {transform_indices = #map1}, {transform_indices = #map}]} {
    %mul3A = arith.constant 2 : i32
    %mul3A_0 = arith.muli %arg1, %mul3A : i32
    %add3A = arith.addi %mul3A_0, %arg0 : i32
    "tpu.region"() ({
      %run_scoped3A = tpu.sem_alloc : memref<!tpu.dma_semaphore, #tpu.memory_space<semaphore_mem>>
      %dma_start3A_503 = arith.constant 0 : i32
      %dma_start3A_504 = tpu.memref_slice %arg3[%add3A, %dma_start3A_503] : memref<32x16xi32, #tpu.memory_space<hbm>> -> memref<1x16xi32, #tpu.memory_space<hbm>>
      %dma_start3A_505 = tpu.memref_squeeze %dma_start3A_504 : memref<1x16xi32, #tpu.memory_space<hbm>> -> memref<16xi32, #tpu.memory_space<hbm>>
      %dma_start3A_506 = arith.constant 0 : i32
      %dma_start3A_507 = tpu.memref_slice %arg3[%add3A, %dma_start3A_506] : memref<32x16xi32, #tpu.memory_space<hbm>> -> memref<1x16xi32, #tpu.memory_space<hbm>>
      %dma_start3A_508 = tpu.memref_squeeze %dma_start3A_507 : memref<1x16xi32, #tpu.memory_space<hbm>> -> memref<16xi32, #tpu.memory_space<hbm>>
      tpu.enqueue_dma source(%dma_start3A_508 : memref<16xi32, #tpu.memory_space<hbm>>) target(%arg5 : memref<16xi32, #tpu.memory_space<vmem>>) target_semaphore(%run_scoped3A : memref<!tpu.dma_semaphore, #tpu.memory_space<semaphore_mem>>)
      %dma_wait3A_509 = arith.constant 0 : i32
      %dma_wait3A_510 = tpu.memref_slice %arg3[%add3A, %dma_wait3A_509] : memref<32x16xi32, #tpu.memory_space<hbm>> -> memref<1x16xi32, #tpu.memory_space<hbm>>
      %dma_wait3A_511 = tpu.memref_squeeze %dma_wait3A_510 : memref<1x16xi32, #tpu.memory_space<hbm>> -> memref<16xi32, #tpu.memory_space<hbm>>
      %dma_wait3A_512 = arith.constant 0 : i32
      %dma_wait3A_513 = tpu.memref_slice %arg3[%add3A, %dma_wait3A_512] : memref<32x16xi32, #tpu.memory_space<hbm>> -> memref<1x16xi32, #tpu.memory_space<hbm>>
      %dma_wait3A_514 = tpu.memref_squeeze %dma_wait3A_513 : memref<1x16xi32, #tpu.memory_space<hbm>> -> memref<16xi32, #tpu.memory_space<hbm>>
      tpu.wait_dma2 semaphore(%run_scoped3A : memref<!tpu.dma_semaphore, #tpu.memory_space<semaphore_mem>>) src(%dma_wait3A_514 : memref<16xi32, #tpu.memory_space<hbm>>) dst(%arg5 : memref<16xi32, #tpu.memory_space<vmem>>)
      tpu.yield
    }) : () -> ()
    %get3A = arith.constant 0 : index
    %get3A_1 = tpu.vector_load %arg5[%get3A] {strides = array<i32>} : memref<16xi32, #tpu.memory_space<vmem>>, vector<16xi32>,
    %get3A_2 = vector.shape_cast %get3A_1 : vector<16xi32> to vector<16xi32>
    %slice3A = vector.extract_strided_slice %get3A_2 {offsets = [0], sizes = [1], strides = [1]} : vector<16xi32> to vector<1xi32>
    %squeeze3A = vector.extract %slice3A[0] : i32 from vector<1xi32>
    %dma_start3A = arith.constant 0 : i32
    %dma_start3A_3 = arith.constant 0 : i32
    %dma_start3A_4 = arith.constant 0 : i32
    %dma_start3A_5 = tpu.memref_slice %arg2[%squeeze3A, %dma_start3A_3, %dma_start3A_4] : memref<576x224x224xf32, #tpu.memory_space<hbm>> -> memref<1x224x224xf32, #tpu.memory_space<hbm>>
    %dma_start3A_6 = tpu.memref_slice %arg8[%dma_start3A] : memref<2x!tpu.dma_semaphore, #tpu.memory_space<semaphore_mem>> -> memref<1x!tpu.dma_semaphore, #tpu.memory_space<semaphore_mem>>
    %dma_start3A_7 = tpu.memref_squeeze %dma_start3A_6 : memref<1x!tpu.dma_semaphore, #tpu.memory_space<semaphore_mem>> -> memref<!tpu.dma_semaphore, #tpu.memory_space<semaphore_mem>>
    %dma_start3A_8 = arith.constant 0 : i32
    %dma_start3A_9 = arith.constant 0 : i32
    %dma_start3A_10 = tpu.memref_slice %arg2[%squeeze3A, %dma_start3A_8, %dma_start3A_9] : memref<576x224x224xf32, #tpu.memory_space<hbm>> -> memref<1x224x224xf32, #tpu.memory_space<hbm>>
    tpu.enqueue_dma source(%dma_start3A_10 : memref<1x224x224xf32, #tpu.memory_space<hbm>>) target(%arg6 : memref<1x224x224xf32, #tpu.memory_space<vmem>>) target_semaphore(%dma_start3A_7 : memref<!tpu.dma_semaphore, #tpu.memory_space<semaphore_mem>>)
    %slice3A_11 = vector.extract_strided_slice %get3A_2 {offsets = [1], sizes = [1], strides = [1]} : vector<16xi32> to vector<1xi32>
    %squeeze3A_12 = vector.extract %slice3A_11[0] : i32 from vector<1xi32>
    %dma_start3A_13 = arith.constant 1 : i32
    %dma_start3A_14 = arith.constant 0 : i32
    %dma_start3A_15 = arith.constant 0 : i32
    %dma_start3A_16 = tpu.memref_slice %arg2[%squeeze3A_12, %dma_start3A_14, %dma_start3A_15] : memref<576x224x224xf32, #tpu.memory_space<hbm>> -> memref<1x224x224xf32, #tpu.memory_space<hbm>>
    %dma_start3A_17 = tpu.memref_slice %arg8[%dma_start3A_13] : memref<2x!tpu.dma_semaphore, #tpu.memory_space<semaphore_mem>> -> memref<1x!tpu.dma_semaphore, #tpu.memory_space<semaphore_mem>>
    %dma_start3A_18 = tpu.memref_squeeze %dma_start3A_17 : memref<1x!tpu.dma_semaphore, #tpu.memory_space<semaphore_mem>> -> memref<!tpu.dma_semaphore, #tpu.memory_space<semaphore_mem>>
    %dma_start3A_19 = arith.constant 0 : i32
    %dma_start3A_20 = arith.constant 0 : i32
    %dma_start3A_21 = tpu.memref_slice %arg2[%squeeze3A_12, %dma_start3A_19, %dma_start3A_20] : memref<576x224x224xf32, #tpu.memory_space<hbm>> -> memref<1x224x224xf32, #tpu.memory_space<hbm>>
    tpu.enqueue_dma source(%dma_start3A_21 : memref<1x224x224xf32, #tpu.memory_space<hbm>>) target(%arg7 : memref<1x224x224xf32, #tpu.memory_space<vmem>>) target_semaphore(%dma_start3A_18 : memref<!tpu.dma_semaphore, #tpu.memory_space<semaphore_mem>>)
    %dma_wait3A = arith.constant 0 : i32
    %dma_wait3A_22 = arith.constant 0 : i32
    %dma_wait3A_23 = arith.constant 0 : i32
    %dma_wait3A_24 = tpu.memref_slice %arg2[%squeeze3A, %dma_wait3A_22, %dma_wait3A_23] : memref<576x224x224xf32, #tpu.memory_space<hbm>> -> memref<1x224x224xf32, #tpu.memory_space<hbm>>
    %dma_wait3A_25 = tpu.memref_slice %arg8[%dma_wait3A] : memref<2x!tpu.dma_semaphore, #tpu.memory_space<semaphore_mem>> -> memref<1x!tpu.dma_semaphore, #tpu.memory_space<semaphore_mem>>
    %dma_wait3A_26 = tpu.memref_squeeze %dma_wait3A_25 : memref<1x!tpu.dma_semaphore, #tpu.memory_space<semaphore_mem>> -> memref<!tpu.dma_semaphore, #tpu.memory_space<semaphore_mem>>
    %dma_wait3A_27 = arith.constant 0 : i32
    %dma_wait3A_28 = arith.constant 0 : i32
    %dma_wait3A_29 = tpu.memref_slice %arg2[%squeeze3A, %dma_wait3A_27, %dma_wait3A_28] : memref<576x224x224xf32, #tpu.memory_space<hbm>> -> memref<1x224x224xf32, #tpu.memory_space<hbm>>
    tpu.wait_dma2 semaphore(%dma_wait3A_26 : memref<!tpu.dma_semaphore, #tpu.memory_space<semaphore_mem>>) src(%dma_wait3A_29 : memref<1x224x224xf32, #tpu.memory_space<hbm>>) dst(%arg6 : memref<1x224x224xf32, #tpu.memory_space<vmem>>)
    %mul3A_30 = arith.constant 12 : i32
    %mul3A_31 = arith.muli %add3A, %mul3A_30 : i32
    %add3A_32 = arith.constant 0 : i32
    %add3A_33 = arith.addi %mul3A_31, %add3A_32 : i32
    %dma_start3A_34 = arith.constant 0 : i32
    %dma_start3A_35 = arith.constant 0 : i32
    %dma_start3A_36 = arith.constant 0 : i32
    %dma_start3A_37 = tpu.memref_slice %arg4[%add3A_33, %dma_start3A_35, %dma_start3A_36] : memref<384x224x224xf32, #tpu.memory_space<hbm>> -> memref<1x224x224xf32, #tpu.memory_space<hbm>>
    %dma_start3A_38 = tpu.memref_slice %arg9[%dma_start3A_34] : memref<2x!tpu.dma_semaphore, #tpu.memory_space<semaphore_mem>> -> memref<1x!tpu.dma_semaphore, #tpu.memory_space<semaphore_mem>>
    %dma_start3A_39 = tpu.memref_squeeze %dma_start3A_38 : memref<1x!tpu.dma_semaphore, #tpu.memory_space<semaphore_mem>> -> memref<!tpu.dma_semaphore, #tpu.memory_space<semaphore_mem>>
    %dma_start3A_40 = arith.constant 0 : i32
    %dma_start3A_41 = arith.constant 0 : i32
    %dma_start3A_42 = tpu.memref_slice %arg4[%add3A_33, %dma_start3A_40, %dma_start3A_41] : memref<384x224x224xf32, #tpu.memory_space<hbm>> -> memref<1x224x224xf32, #tpu.memory_space<hbm>>
    tpu.enqueue_dma source(%arg6 : memref<1x224x224xf32, #tpu.memory_space<vmem>>) target(%dma_start3A_42 : memref<1x224x224xf32, #tpu.memory_space<hbm>>) target_semaphore(%dma_start3A_39 : memref<!tpu.dma_semaphore, #tpu.memory_space<semaphore_mem>>)
    %dma_wait3A_43 = arith.constant 0 : i32
    %dma_wait3A_44 = arith.constant 0 : i32
    %dma_wait3A_45 = arith.constant 0 : i32
    %dma_wait3A_46 = tpu.memref_slice %arg4[%add3A_33, %dma_wait3A_44, %dma_wait3A_45] : memref<384x224x224xf32, #tpu.memory_space<hbm>> -> memref<1x224x224xf32, #tpu.memory_space<hbm>>
    %dma_wait3A_47 = tpu.memref_slice %arg9[%dma_wait3A_43] : memref<2x!tpu.dma_semaphore, #tpu.memory_space<semaphore_mem>> -> memref<1x!tpu.dma_semaphore, #tpu.memory_space<semaphore_mem>>
    %dma_wait3A_48 = tpu.memref_squeeze %dma_wait3A_47 : memref<1x!tpu.dma_semaphore, #tpu.memory_space<semaphore_mem>> -> memref<!tpu.dma_semaphore, #tpu.memory_space<semaphore_mem>>
    %dma_wait3A_49 = arith.constant 0 : i32
    %dma_wait3A_50 = arith.constant 0 : i32
    %dma_wait3A_51 = tpu.memref_slice %arg4[%add3A_33, %dma_wait3A_49, %dma_wait3A_50] : memref<384x224x224xf32, #tpu.memory_space<hbm>> -> memref<1x224x224xf32, #tpu.memory_space<hbm>>
    tpu.wait_dma2 semaphore(%dma_wait3A_48 : memref<!tpu.dma_semaphore, #tpu.memory_space<semaphore_mem>>) src(%arg6 : memref<1x224x224xf32, #tpu.memory_space<vmem>>) dst(%dma_wait3A_51 : memref<1x224x224xf32, #tpu.memory_space<hbm>>)
    %slice3A_52 = vector.extract_strided_slice %get3A_2 {offsets = [2], sizes = [1], strides = [1]} : vector<16xi32> to vector<1xi32>
    %squeeze3A_53 = vector.extract %slice3A_52[0] : i32 from vector<1xi32>
    %dma_start3A_54 = arith.constant 0 : i32
    %dma_start3A_55 = arith.constant 0 : i32
    %dma_start3A_56 = arith.constant 0 : i32
    %dma_start3A_57 = tpu.memref_slice %arg2[%squeeze3A_53, %dma_start3A_55, %dma_start3A_56] : memref<576x224x224xf32, #tpu.memory_space<hbm>> -> memref<1x224x224xf32, #tpu.memory_space<hbm>>
    %dma_start3A_58 = tpu.memref_slice %arg8[%dma_start3A_54] : memref<2x!tpu.dma_semaphore, #tpu.memory_space<semaphore_mem>> -> memref<1x!tpu.dma_semaphore, #tpu.memory_space<semaphore_mem>>
    %dma_start3A_59 = tpu.memref_squeeze %dma_start3A_58 : memref<1x!tpu.dma_semaphore, #tpu.memory_space<semaphore_mem>> -> memref<!tpu.dma_semaphore, #tpu.memory_space<semaphore_mem>>
    %dma_start3A_60 = arith.constant 0 : i32
    %dma_start3A_61 = arith.constant 0 : i32
    %dma_start3A_62 = tpu.memref_slice %arg2[%squeeze3A_53, %dma_start3A_60, %dma_start3A_61] : memref<576x224x224xf32, #tpu.memory_space<hbm>> -> memref<1x224x224xf32, #tpu.memory_space<hbm>>
    tpu.enqueue_dma source(%dma_start3A_62 : memref<1x224x224xf32, #tpu.memory_space<hbm>>) target(%arg6 : memref<1x224x224xf32, #tpu.memory_space<vmem>>) target_semaphore(%dma_start3A_59 : memref<!tpu.dma_semaphore, #tpu.memory_space<semaphore_mem>>)
    %dma_wait3A_63 = arith.constant 1 : i32
    %dma_wait3A_64 = arith.constant 0 : i32
    %dma_wait3A_65 = arith.constant 0 : i32
    %dma_wait3A_66 = tpu.memref_slice %arg2[%squeeze3A_12, %dma_wait3A_64, %dma_wait3A_65] : memref<576x224x224xf32, #tpu.memory_space<hbm>> -> memref<1x224x224xf32, #tpu.memory_space<hbm>>
    %dma_wait3A_67 = tpu.memref_slice %arg8[%dma_wait3A_63] : memref<2x!tpu.dma_semaphore, #tpu.memory_space<semaphore_mem>> -> memref<1x!tpu.dma_semaphore, #tpu.memory_space<semaphore_mem>>
    %dma_wait3A_68 = tpu.memref_squeeze %dma_wait3A_67 : memref<1x!tpu.dma_semaphore, #tpu.memory_space<semaphore_mem>> -> memref<!tpu.dma_semaphore, #tpu.memory_space<semaphore_mem>>
    %dma_wait3A_69 = arith.constant 0 : i32
    %dma_wait3A_70 = arith.constant 0 : i32
    %dma_wait3A_71 = tpu.memref_slice %arg2[%squeeze3A_12, %dma_wait3A_69, %dma_wait3A_70] : memref<576x224x224xf32, #tpu.memory_space<hbm>> -> memref<1x224x224xf32, #tpu.memory_space<hbm>>
    tpu.wait_dma2 semaphore(%dma_wait3A_68 : memref<!tpu.dma_semaphore, #tpu.memory_space<semaphore_mem>>) src(%dma_wait3A_71 : memref<1x224x224xf32, #tpu.memory_space<hbm>>) dst(%arg7 : memref<1x224x224xf32, #tpu.memory_space<vmem>>)
    %mul3A_72 = arith.constant 12 : i32
    %mul3A_73 = arith.muli %add3A, %mul3A_72 : i32
    %add3A_74 = arith.constant 1 : i32
    %add3A_75 = arith.addi %mul3A_73, %add3A_74 : i32
    %dma_start3A_76 = arith.constant 1 : i32
    %dma_start3A_77 = arith.constant 0 : i32
    %dma_start3A_78 = arith.constant 0 : i32
    %dma_start3A_79 = tpu.memref_slice %arg4[%add3A_75, %dma_start3A_77, %dma_start3A_78] : memref<384x224x224xf32, #tpu.memory_space<hbm>> -> memref<1x224x224xf32, #tpu.memory_space<hbm>>
    %dma_start3A_80 = tpu.memref_slice %arg9[%dma_start3A_76] : memref<2x!tpu.dma_semaphore, #tpu.memory_space<semaphore_mem>> -> memref<1x!tpu.dma_semaphore, #tpu.memory_space<semaphore_mem>>
    %dma_start3A_81 = tpu.memref_squeeze %dma_start3A_80 : memref<1x!tpu.dma_semaphore, #tpu.memory_space<semaphore_mem>> -> memref<!tpu.dma_semaphore, #tpu.memory_space<semaphore_mem>>
    %dma_start3A_82 = arith.constant 0 : i32
    %dma_start3A_83 = arith.constant 0 : i32
    %dma_start3A_84 = tpu.memref_slice %arg4[%add3A_75, %dma_start3A_82, %dma_start3A_83] : memref<384x224x224xf32, #tpu.memory_space<hbm>> -> memref<1x224x224xf32, #tpu.memory_space<hbm>>
    tpu.enqueue_dma source(%arg7 : memref<1x224x224xf32, #tpu.memory_space<vmem>>) target(%dma_start3A_84 : memref<1x224x224xf32, #tpu.memory_space<hbm>>) target_semaphore(%dma_start3A_81 : memref<!tpu.dma_semaphore, #tpu.memory_space<semaphore_mem>>)
    %dma_wait3A_85 = arith.constant 1 : i32
    %dma_wait3A_86 = arith.constant 0 : i32
    %dma_wait3A_87 = arith.constant 0 : i32
    %dma_wait3A_88 = tpu.memref_slice %arg4[%add3A_75, %dma_wait3A_86, %dma_wait3A_87] : memref<384x224x224xf32, #tpu.memory_space<hbm>> -> memref<1x224x224xf32, #tpu.memory_space<hbm>>
    %dma_wait3A_89 = tpu.memref_slice %arg9[%dma_wait3A_85] : memref<2x!tpu.dma_semaphore, #tpu.memory_space<semaphore_mem>> -> memref<1x!tpu.dma_semaphore, #tpu.memory_space<semaphore_mem>>
    %dma_wait3A_90 = tpu.memref_squeeze %dma_wait3A_89 : memref<1x!tpu.dma_semaphore, #tpu.memory_space<semaphore_mem>> -> memref<!tpu.dma_semaphore, #tpu.memory_space<semaphore_mem>>
    %dma_wait3A_91 = arith.constant 0 : i32
    %dma_wait3A_92 = arith.constant 0 : i32
    %dma_wait3A_93 = tpu.memref_slice %arg4[%add3A_75, %dma_wait3A_91, %dma_wait3A_92] : memref<384x224x224xf32, #tpu.memory_space<hbm>> -> memref<1x224x224xf32, #tpu.memory_space<hbm>>
    tpu.wait_dma2 semaphore(%dma_wait3A_90 : memref<!tpu.dma_semaphore, #tpu.memory_space<semaphore_mem>>) src(%arg7 : memref<1x224x224xf32, #tpu.memory_space<vmem>>) dst(%dma_wait3A_93 : memref<1x224x224xf32, #tpu.memory_space<hbm>>)
    %slice3A_94 = vector.extract_strided_slice %get3A_2 {offsets = [3], sizes = [1], strides = [1]} : vector<16xi32> to vector<1xi32>
    %squeeze3A_95 = vector.extract %slice3A_94[0] : i32 from vector<1xi32>
    %dma_start3A_96 = arith.constant 1 : i32
    %dma_start3A_97 = arith.constant 0 : i32
    %dma_start3A_98 = arith.constant 0 : i32
    %dma_start3A_99 = tpu.memref_slice %arg2[%squeeze3A_95, %dma_start3A_97, %dma_start3A_98] : memref<576x224x224xf32, #tpu.memory_space<hbm>> -> memref<1x224x224xf32, #tpu.memory_space<hbm>>
    %dma_start3A_100 = tpu.memref_slice %arg8[%dma_start3A_96] : memref<2x!tpu.dma_semaphore, #tpu.memory_space<semaphore_mem>> -> memref<1x!tpu.dma_semaphore, #tpu.memory_space<semaphore_mem>>
    %dma_start3A_101 = tpu.memref_squeeze %dma_start3A_100 : memref<1x!tpu.dma_semaphore, #tpu.memory_space<semaphore_mem>> -> memref<!tpu.dma_semaphore, #tpu.memory_space<semaphore_mem>>
    %dma_start3A_102 = arith.constant 0 : i32
    %dma_start3A_103 = arith.constant 0 : i32
    %dma_start3A_104 = tpu.memref_slice %arg2[%squeeze3A_95, %dma_start3A_102, %dma_start3A_103] : memref<576x224x224xf32, #tpu.memory_space<hbm>> -> memref<1x224x224xf32, #tpu.memory_space<hbm>>
    tpu.enqueue_dma source(%dma_start3A_104 : memref<1x224x224xf32, #tpu.memory_space<hbm>>) target(%arg7 : memref<1x224x224xf32, #tpu.memory_space<vmem>>) target_semaphore(%dma_start3A_101 : memref<!tpu.dma_semaphore, #tpu.memory_space<semaphore_mem>>)
    %dma_wait3A_105 = arith.constant 0 : i32
    %dma_wait3A_106 = arith.constant 0 : i32
    %dma_wait3A_107 = arith.constant 0 : i32
    %dma_wait3A_108 = tpu.memref_slice %arg2[%squeeze3A_53, %dma_wait3A_106, %dma_wait3A_107] : memref<576x224x224xf32, #tpu.memory_space<hbm>> -> memref<1x224x224xf32, #tpu.memory_space<hbm>>
    %dma_wait3A_109 = tpu.memref_slice %arg8[%dma_wait3A_105] : memref<2x!tpu.dma_semaphore, #tpu.memory_space<semaphore_mem>> -> memref<1x!tpu.dma_semaphore, #tpu.memory_space<semaphore_mem>>
    %dma_wait3A_110 = tpu.memref_squeeze %dma_wait3A_109 : memref<1x!tpu.dma_semaphore, #tpu.memory_space<semaphore_mem>> -> memref<!tpu.dma_semaphore, #tpu.memory_space<semaphore_mem>>
    %dma_wait3A_111 = arith.constant 0 : i32
    %dma_wait3A_112 = arith.constant 0 : i32
    %dma_wait3A_113 = tpu.memref_slice %arg2[%squeeze3A_53, %dma_wait3A_111, %dma_wait3A_112] : memref<576x224x224xf32, #tpu.memory_space<hbm>> -> memref<1x224x224xf32, #tpu.memory_space<hbm>>
    tpu.wait_dma2 semaphore(%dma_wait3A_110 : memref<!tpu.dma_semaphore, #tpu.memory_space<semaphore_mem>>) src(%dma_wait3A_113 : memref<1x224x224xf32, #tpu.memory_space<hbm>>) dst(%arg6 : memref<1x224x224xf32, #tpu.memory_space<vmem>>)
    %mul3A_114 = arith.constant 12 : i32
    %mul3A_115 = arith.muli %add3A, %mul3A_114 : i32
    %add3A_116 = arith.constant 2 : i32
    %add3A_117 = arith.addi %mul3A_115, %add3A_116 : i32
    %dma_start3A_118 = arith.constant 0 : i32
    %dma_start3A_119 = arith.constant 0 : i32
    %dma_start3A_120 = arith.constant 0 : i32
    %dma_start3A_121 = tpu.memref_slice %arg4[%add3A_117, %dma_start3A_119, %dma_start3A_120] : memref<384x224x224xf32, #tpu.memory_space<hbm>> -> memref<1x224x224xf32, #tpu.memory_space<hbm>>
    %dma_start3A_122 = tpu.memref_slice %arg9[%dma_start3A_118] : memref<2x!tpu.dma_semaphore, #tpu.memory_space<semaphore_mem>> -> memref<1x!tpu.dma_semaphore, #tpu.memory_space<semaphore_mem>>
    %dma_start3A_123 = tpu.memref_squeeze %dma_start3A_122 : memref<1x!tpu.dma_semaphore, #tpu.memory_space<semaphore_mem>> -> memref<!tpu.dma_semaphore, #tpu.memory_space<semaphore_mem>>
    %dma_start3A_124 = arith.constant 0 : i32
    %dma_start3A_125 = arith.constant 0 : i32
    %dma_start3A_126 = tpu.memref_slice %arg4[%add3A_117, %dma_start3A_124, %dma_start3A_125] : memref<384x224x224xf32, #tpu.memory_space<hbm>> -> memref<1x224x224xf32, #tpu.memory_space<hbm>>
    tpu.enqueue_dma source(%arg6 : memref<1x224x224xf32, #tpu.memory_space<vmem>>) target(%dma_start3A_126 : memref<1x224x224xf32, #tpu.memory_space<hbm>>) target_semaphore(%dma_start3A_123 : memref<!tpu.dma_semaphore, #tpu.memory_space<semaphore_mem>>)
    %dma_wait3A_127 = arith.constant 0 : i32
    %dma_wait3A_128 = arith.constant 0 : i32
    %dma_wait3A_129 = arith.constant 0 : i32
    %dma_wait3A_130 = tpu.memref_slice %arg4[%add3A_117, %dma_wait3A_128, %dma_wait3A_129] : memref<384x224x224xf32, #tpu.memory_space<hbm>> -> memref<1x224x224xf32, #tpu.memory_space<hbm>>
    %dma_wait3A_131 = tpu.memref_slice %arg9[%dma_wait3A_127] : memref<2x!tpu.dma_semaphore, #tpu.memory_space<semaphore_mem>> -> memref<1x!tpu.dma_semaphore, #tpu.memory_space<semaphore_mem>>
    %dma_wait3A_132 = tpu.memref_squeeze %dma_wait3A_131 : memref<1x!tpu.dma_semaphore, #tpu.memory_space<semaphore_mem>> -> memref<!tpu.dma_semaphore, #tpu.memory_space<semaphore_mem>>
    %dma_wait3A_133 = arith.constant 0 : i32
    %dma_wait3A_134 = arith.constant 0 : i32
    %dma_wait3A_135 = tpu.memref_slice %arg4[%add3A_117, %dma_wait3A_133, %dma_wait3A_134] : memref<384x224x224xf32, #tpu.memory_space<hbm>> -> memref<1x224x224xf32, #tpu.memory_space<hbm>>
    tpu.wait_dma2 semaphore(%dma_wait3A_132 : memref<!tpu.dma_semaphore, #tpu.memory_space<semaphore_mem>>) src(%arg6 : memref<1x224x224xf32, #tpu.memory_space<vmem>>) dst(%dma_wait3A_135 : memref<1x224x224xf32, #tpu.memory_space<hbm>>)
    %slice3A_136 = vector.extract_strided_slice %get3A_2 {offsets = [4], sizes = [1], strides = [1]} : vector<16xi32> to vector<1xi32>
    %squeeze3A_137 = vector.extract %slice3A_136[0] : i32 from vector<1xi32>
    %dma_start3A_138 = arith.constant 0 : i32
    %dma_start3A_139 = arith.constant 0 : i32
    %dma_start3A_140 = arith.constant 0 : i32
    %dma_start3A_141 = tpu.memref_slice %arg2[%squeeze3A_137, %dma_start3A_139, %dma_start3A_140] : memref<576x224x224xf32, #tpu.memory_space<hbm>> -> memref<1x224x224xf32, #tpu.memory_space<hbm>>
    %dma_start3A_142 = tpu.memref_slice %arg8[%dma_start3A_138] : memref<2x!tpu.dma_semaphore, #tpu.memory_space<semaphore_mem>> -> memref<1x!tpu.dma_semaphore, #tpu.memory_space<semaphore_mem>>
    %dma_start3A_143 = tpu.memref_squeeze %dma_start3A_142 : memref<1x!tpu.dma_semaphore, #tpu.memory_space<semaphore_mem>> -> memref<!tpu.dma_semaphore, #tpu.memory_space<semaphore_mem>>
    %dma_start3A_144 = arith.constant 0 : i32
    %dma_start3A_145 = arith.constant 0 : i32
    %dma_start3A_146 = tpu.memref_slice %arg2[%squeeze3A_137, %dma_start3A_144, %dma_start3A_145] : memref<576x224x224xf32, #tpu.memory_space<hbm>> -> memref<1x224x224xf32, #tpu.memory_space<hbm>>
    tpu.enqueue_dma source(%dma_start3A_146 : memref<1x224x224xf32, #tpu.memory_space<hbm>>) target(%arg6 : memref<1x224x224xf32, #tpu.memory_space<vmem>>) target_semaphore(%dma_start3A_143 : memref<!tpu.dma_semaphore, #tpu.memory_space<semaphore_mem>>)
    %dma_wait3A_147 = arith.constant 1 : i32
    %dma_wait3A_148 = arith.constant 0 : i32
    %dma_wait3A_149 = arith.constant 0 : i32
    %dma_wait3A_150 = tpu.memref_slice %arg2[%squeeze3A_95, %dma_wait3A_148, %dma_wait3A_149] : memref<576x224x224xf32, #tpu.memory_space<hbm>> -> memref<1x224x224xf32, #tpu.memory_space<hbm>>
    %dma_wait3A_151 = tpu.memref_slice %arg8[%dma_wait3A_147] : memref<2x!tpu.dma_semaphore, #tpu.memory_space<semaphore_mem>> -> memref<1x!tpu.dma_semaphore, #tpu.memory_space<semaphore_mem>>
    %dma_wait3A_152 = tpu.memref_squeeze %dma_wait3A_151 : memref<1x!tpu.dma_semaphore, #tpu.memory_space<semaphore_mem>> -> memref<!tpu.dma_semaphore, #tpu.memory_space<semaphore_mem>>
    %dma_wait3A_153 = arith.constant 0 : i32
    %dma_wait3A_154 = arith.constant 0 : i32
    %dma_wait3A_155 = tpu.memref_slice %arg2[%squeeze3A_95, %dma_wait3A_153, %dma_wait3A_154] : memref<576x224x224xf32, #tpu.memory_space<hbm>> -> memref<1x224x224xf32, #tpu.memory_space<hbm>>
    tpu.wait_dma2 semaphore(%dma_wait3A_152 : memref<!tpu.dma_semaphore, #tpu.memory_space<semaphore_mem>>) src(%dma_wait3A_155 : memref<1x224x224xf32, #tpu.memory_space<hbm>>) dst(%arg7 : memref<1x224x224xf32, #tpu.memory_space<vmem>>)
    %mul3A_156 = arith.constant 12 : i32
    %mul3A_157 = arith.muli %add3A, %mul3A_156 : i32
    %add3A_158 = arith.constant 3 : i32
    %add3A_159 = arith.addi %mul3A_157, %add3A_158 : i32
    %dma_start3A_160 = arith.constant 1 : i32
    %dma_start3A_161 = arith.constant 0 : i32
    %dma_start3A_162 = arith.constant 0 : i32
    %dma_start3A_163 = tpu.memref_slice %arg4[%add3A_159, %dma_start3A_161, %dma_start3A_162] : memref<384x224x224xf32, #tpu.memory_space<hbm>> -> memref<1x224x224xf32, #tpu.memory_space<hbm>>
    %dma_start3A_164 = tpu.memref_slice %arg9[%dma_start3A_160] : memref<2x!tpu.dma_semaphore, #tpu.memory_space<semaphore_mem>> -> memref<1x!tpu.dma_semaphore, #tpu.memory_space<semaphore_mem>>
    %dma_start3A_165 = tpu.memref_squeeze %dma_start3A_164 : memref<1x!tpu.dma_semaphore, #tpu.memory_space<semaphore_mem>> -> memref<!tpu.dma_semaphore, #tpu.memory_space<semaphore_mem>>
    %dma_start3A_166 = arith.constant 0 : i32
    %dma_start3A_167 = arith.constant 0 : i32
    %dma_start3A_168 = tpu.memref_slice %arg4[%add3A_159, %dma_start3A_166, %dma_start3A_167] : memref<384x224x224xf32, #tpu.memory_space<hbm>> -> memref<1x224x224xf32, #tpu.memory_space<hbm>>
    tpu.enqueue_dma source(%arg7 : memref<1x224x224xf32, #tpu.memory_space<vmem>>) target(%dma_start3A_168 : memref<1x224x224xf32, #tpu.memory_space<hbm>>) target_semaphore(%dma_start3A_165 : memref<!tpu.dma_semaphore, #tpu.memory_space<semaphore_mem>>)
    %dma_wait3A_169 = arith.constant 1 : i32
    %dma_wait3A_170 = arith.constant 0 : i32
    %dma_wait3A_171 = arith.constant 0 : i32
    %dma_wait3A_172 = tpu.memref_slice %arg4[%add3A_159, %dma_wait3A_170, %dma_wait3A_171] : memref<384x224x224xf32, #tpu.memory_space<hbm>> -> memref<1x224x224xf32, #tpu.memory_space<hbm>>
    %dma_wait3A_173 = tpu.memref_slice %arg9[%dma_wait3A_169] : memref<2x!tpu.dma_semaphore, #tpu.memory_space<semaphore_mem>> -> memref<1x!tpu.dma_semaphore, #tpu.memory_space<semaphore_mem>>
    %dma_wait3A_174 = tpu.memref_squeeze %dma_wait3A_173 : memref<1x!tpu.dma_semaphore, #tpu.memory_space<semaphore_mem>> -> memref<!tpu.dma_semaphore, #tpu.memory_space<semaphore_mem>>
    %dma_wait3A_175 = arith.constant 0 : i32
    %dma_wait3A_176 = arith.constant 0 : i32
    %dma_wait3A_177 = tpu.memref_slice %arg4[%add3A_159, %dma_wait3A_175, %dma_wait3A_176] : memref<384x224x224xf32, #tpu.memory_space<hbm>> -> memref<1x224x224xf32, #tpu.memory_space<hbm>>
    tpu.wait_dma2 semaphore(%dma_wait3A_174 : memref<!tpu.dma_semaphore, #tpu.memory_space<semaphore_mem>>) src(%arg7 : memref<1x224x224xf32, #tpu.memory_space<vmem>>) dst(%dma_wait3A_177 : memref<1x224x224xf32, #tpu.memory_space<hbm>>)
    %slice3A_178 = vector.extract_strided_slice %get3A_2 {offsets = [5], sizes = [1], strides = [1]} : vector<16xi32> to vector<1xi32>
    %squeeze3A_179 = vector.extract %slice3A_178[0] : i32 from vector<1xi32>
    %dma_start3A_180 = arith.constant 1 : i32
    %dma_start3A_181 = arith.constant 0 : i32
    %dma_start3A_182 = arith.constant 0 : i32
    %dma_start3A_183 = tpu.memref_slice %arg2[%squeeze3A_179, %dma_start3A_181, %dma_start3A_182] : memref<576x224x224xf32, #tpu.memory_space<hbm>> -> memref<1x224x224xf32, #tpu.memory_space<hbm>>
    %dma_start3A_184 = tpu.memref_slice %arg8[%dma_start3A_180] : memref<2x!tpu.dma_semaphore, #tpu.memory_space<semaphore_mem>> -> memref<1x!tpu.dma_semaphore, #tpu.memory_space<semaphore_mem>>
    %dma_start3A_185 = tpu.memref_squeeze %dma_start3A_184 : memref<1x!tpu.dma_semaphore, #tpu.memory_space<semaphore_mem>> -> memref<!tpu.dma_semaphore, #tpu.memory_space<semaphore_mem>>
    %dma_start3A_186 = arith.constant 0 : i32
    %dma_start3A_187 = arith.constant 0 : i32
    %dma_start3A_188 = tpu.memref_slice %arg2[%squeeze3A_179, %dma_start3A_186, %dma_start3A_187] : memref<576x224x224xf32, #tpu.memory_space<hbm>> -> memref<1x224x224xf32, #tpu.memory_space<hbm>>
    tpu.enqueue_dma source(%dma_start3A_188 : memref<1x224x224xf32, #tpu.memory_space<hbm>>) target(%arg7 : memref<1x224x224xf32, #tpu.memory_space<vmem>>) target_semaphore(%dma_start3A_185 : memref<!tpu.dma_semaphore, #tpu.memory_space<semaphore_mem>>)
    %dma_wait3A_189 = arith.constant 0 : i32
    %dma_wait3A_190 = arith.constant 0 : i32
    %dma_wait3A_191 = arith.constant 0 : i32
    %dma_wait3A_192 = tpu.memref_slice %arg2[%squeeze3A_137, %dma_wait3A_190, %dma_wait3A_191] : memref<576x224x224xf32, #tpu.memory_space<hbm>> -> memref<1x224x224xf32, #tpu.memory_space<hbm>>
    %dma_wait3A_193 = tpu.memref_slice %arg8[%dma_wait3A_189] : memref<2x!tpu.dma_semaphore, #tpu.memory_space<semaphore_mem>> -> memref<1x!tpu.dma_semaphore, #tpu.memory_space<semaphore_mem>>
    %dma_wait3A_194 = tpu.memref_squeeze %dma_wait3A_193 : memref<1x!tpu.dma_semaphore, #tpu.memory_space<semaphore_mem>> -> memref<!tpu.dma_semaphore, #tpu.memory_space<semaphore_mem>>
    %dma_wait3A_195 = arith.constant 0 : i32
    %dma_wait3A_196 = arith.constant 0 : i32
    %dma_wait3A_197 = tpu.memref_slice %arg2[%squeeze3A_137, %dma_wait3A_195, %dma_wait3A_196] : memref<576x224x224xf32, #tpu.memory_space<hbm>> -> memref<1x224x224xf32, #tpu.memory_space<hbm>>
    tpu.wait_dma2 semaphore(%dma_wait3A_194 : memref<!tpu.dma_semaphore, #tpu.memory_space<semaphore_mem>>) src(%dma_wait3A_197 : memref<1x224x224xf32, #tpu.memory_space<hbm>>) dst(%arg6 : memref<1x224x224xf32, #tpu.memory_space<vmem>>)
    %mul3A_198 = arith.constant 12 : i32
    %mul3A_199 = arith.muli %add3A, %mul3A_198 : i32
    %add3A_200 = arith.constant 4 : i32
    %add3A_201 = arith.addi %mul3A_199, %add3A_200 : i32
    %dma_start3A_202 = arith.constant 0 : i32
    %dma_start3A_203 = arith.constant 0 : i32
    %dma_start3A_204 = arith.constant 0 : i32
    %dma_start3A_205 = tpu.memref_slice %arg4[%add3A_201, %dma_start3A_203, %dma_start3A_204] : memref<384x224x224xf32, #tpu.memory_space<hbm>> -> memref<1x224x224xf32, #tpu.memory_space<hbm>>
    %dma_start3A_206 = tpu.memref_slice %arg9[%dma_start3A_202] : memref<2x!tpu.dma_semaphore, #tpu.memory_space<semaphore_mem>> -> memref<1x!tpu.dma_semaphore, #tpu.memory_space<semaphore_mem>>
    %dma_start3A_207 = tpu.memref_squeeze %dma_start3A_206 : memref<1x!tpu.dma_semaphore, #tpu.memory_space<semaphore_mem>> -> memref<!tpu.dma_semaphore, #tpu.memory_space<semaphore_mem>>
    %dma_start3A_208 = arith.constant 0 : i32
    %dma_start3A_209 = arith.constant 0 : i32
    %dma_start3A_210 = tpu.memref_slice %arg4[%add3A_201, %dma_start3A_208, %dma_start3A_209] : memref<384x224x224xf32, #tpu.memory_space<hbm>> -> memref<1x224x224xf32, #tpu.memory_space<hbm>>
    tpu.enqueue_dma source(%arg6 : memref<1x224x224xf32, #tpu.memory_space<vmem>>) target(%dma_start3A_210 : memref<1x224x224xf32, #tpu.memory_space<hbm>>) target_semaphore(%dma_start3A_207 : memref<!tpu.dma_semaphore, #tpu.memory_space<semaphore_mem>>)
    %dma_wait3A_211 = arith.constant 0 : i32
    %dma_wait3A_212 = arith.constant 0 : i32
    %dma_wait3A_213 = arith.constant 0 : i32
    %dma_wait3A_214 = tpu.memref_slice %arg4[%add3A_201, %dma_wait3A_212, %dma_wait3A_213] : memref<384x224x224xf32, #tpu.memory_space<hbm>> -> memref<1x224x224xf32, #tpu.memory_space<hbm>>
    %dma_wait3A_215 = tpu.memref_slice %arg9[%dma_wait3A_211] : memref<2x!tpu.dma_semaphore, #tpu.memory_space<semaphore_mem>> -> memref<1x!tpu.dma_semaphore, #tpu.memory_space<semaphore_mem>>
    %dma_wait3A_216 = tpu.memref_squeeze %dma_wait3A_215 : memref<1x!tpu.dma_semaphore, #tpu.memory_space<semaphore_mem>> -> memref<!tpu.dma_semaphore, #tpu.memory_space<semaphore_mem>>
    %dma_wait3A_217 = arith.constant 0 : i32
    %dma_wait3A_218 = arith.constant 0 : i32
    %dma_wait3A_219 = tpu.memref_slice %arg4[%add3A_201, %dma_wait3A_217, %dma_wait3A_218] : memref<384x224x224xf32, #tpu.memory_space<hbm>> -> memref<1x224x224xf32, #tpu.memory_space<hbm>>
    tpu.wait_dma2 semaphore(%dma_wait3A_216 : memref<!tpu.dma_semaphore, #tpu.memory_space<semaphore_mem>>) src(%arg6 : memref<1x224x224xf32, #tpu.memory_space<vmem>>) dst(%dma_wait3A_219 : memref<1x224x224xf32, #tpu.memory_space<hbm>>)
    %slice3A_220 = vector.extract_strided_slice %get3A_2 {offsets = [6], sizes = [1], strides = [1]} : vector<16xi32> to vector<1xi32>
    %squeeze3A_221 = vector.extract %slice3A_220[0] : i32 from vector<1xi32>
    %dma_start3A_222 = arith.constant 0 : i32
    %dma_start3A_223 = arith.constant 0 : i32
    %dma_start3A_224 = arith.constant 0 : i32
    %dma_start3A_225 = tpu.memref_slice %arg2[%squeeze3A_221, %dma_start3A_223, %dma_start3A_224] : memref<576x224x224xf32, #tpu.memory_space<hbm>> -> memref<1x224x224xf32, #tpu.memory_space<hbm>>
    %dma_start3A_226 = tpu.memref_slice %arg8[%dma_start3A_222] : memref<2x!tpu.dma_semaphore, #tpu.memory_space<semaphore_mem>> -> memref<1x!tpu.dma_semaphore, #tpu.memory_space<semaphore_mem>>
    %dma_start3A_227 = tpu.memref_squeeze %dma_start3A_226 : memref<1x!tpu.dma_semaphore, #tpu.memory_space<semaphore_mem>> -> memref<!tpu.dma_semaphore, #tpu.memory_space<semaphore_mem>>
    %dma_start3A_228 = arith.constant 0 : i32
    %dma_start3A_229 = arith.constant 0 : i32
    %dma_start3A_230 = tpu.memref_slice %arg2[%squeeze3A_221, %dma_start3A_228, %dma_start3A_229] : memref<576x224x224xf32, #tpu.memory_space<hbm>> -> memref<1x224x224xf32, #tpu.memory_space<hbm>>
    tpu.enqueue_dma source(%dma_start3A_230 : memref<1x224x224xf32, #tpu.memory_space<hbm>>) target(%arg6 : memref<1x224x224xf32, #tpu.memory_space<vmem>>) target_semaphore(%dma_start3A_227 : memref<!tpu.dma_semaphore, #tpu.memory_space<semaphore_mem>>)
    %dma_wait3A_231 = arith.constant 1 : i32
    %dma_wait3A_232 = arith.constant 0 : i32
    %dma_wait3A_233 = arith.constant 0 : i32
    %dma_wait3A_234 = tpu.memref_slice %arg2[%squeeze3A_179, %dma_wait3A_232, %dma_wait3A_233] : memref<576x224x224xf32, #tpu.memory_space<hbm>> -> memref<1x224x224xf32, #tpu.memory_space<hbm>>
    %dma_wait3A_235 = tpu.memref_slice %arg8[%dma_wait3A_231] : memref<2x!tpu.dma_semaphore, #tpu.memory_space<semaphore_mem>> -> memref<1x!tpu.dma_semaphore, #tpu.memory_space<semaphore_mem>>
    %dma_wait3A_236 = tpu.memref_squeeze %dma_wait3A_235 : memref<1x!tpu.dma_semaphore, #tpu.memory_space<semaphore_mem>> -> memref<!tpu.dma_semaphore, #tpu.memory_space<semaphore_mem>>
    %dma_wait3A_237 = arith.constant 0 : i32
    %dma_wait3A_238 = arith.constant 0 : i32
    %dma_wait3A_239 = tpu.memref_slice %arg2[%squeeze3A_179, %dma_wait3A_237, %dma_wait3A_238] : memref<576x224x224xf32, #tpu.memory_space<hbm>> -> memref<1x224x224xf32, #tpu.memory_space<hbm>>
    tpu.wait_dma2 semaphore(%dma_wait3A_236 : memref<!tpu.dma_semaphore, #tpu.memory_space<semaphore_mem>>) src(%dma_wait3A_239 : memref<1x224x224xf32, #tpu.memory_space<hbm>>) dst(%arg7 : memref<1x224x224xf32, #tpu.memory_space<vmem>>)
    %mul3A_240 = arith.constant 12 : i32
    %mul3A_241 = arith.muli %add3A, %mul3A_240 : i32
    %add3A_242 = arith.constant 5 : i32
    %add3A_243 = arith.addi %mul3A_241, %add3A_242 : i32
    %dma_start3A_244 = arith.constant 1 : i32
    %dma_start3A_245 = arith.constant 0 : i32
    %dma_start3A_246 = arith.constant 0 : i32
    %dma_start3A_247 = tpu.memref_slice %arg4[%add3A_243, %dma_start3A_245, %dma_start3A_246] : memref<384x224x224xf32, #tpu.memory_space<hbm>> -> memref<1x224x224xf32, #tpu.memory_space<hbm>>
    %dma_start3A_248 = tpu.memref_slice %arg9[%dma_start3A_244] : memref<2x!tpu.dma_semaphore, #tpu.memory_space<semaphore_mem>> -> memref<1x!tpu.dma_semaphore, #tpu.memory_space<semaphore_mem>>
    %dma_start3A_249 = tpu.memref_squeeze %dma_start3A_248 : memref<1x!tpu.dma_semaphore, #tpu.memory_space<semaphore_mem>> -> memref<!tpu.dma_semaphore, #tpu.memory_space<semaphore_mem>>
    %dma_start3A_250 = arith.constant 0 : i32
    %dma_start3A_251 = arith.constant 0 : i32
    %dma_start3A_252 = tpu.memref_slice %arg4[%add3A_243, %dma_start3A_250, %dma_start3A_251] : memref<384x224x224xf32, #tpu.memory_space<hbm>> -> memref<1x224x224xf32, #tpu.memory_space<hbm>>
    tpu.enqueue_dma source(%arg7 : memref<1x224x224xf32, #tpu.memory_space<vmem>>) target(%dma_start3A_252 : memref<1x224x224xf32, #tpu.memory_space<hbm>>) target_semaphore(%dma_start3A_249 : memref<!tpu.dma_semaphore, #tpu.memory_space<semaphore_mem>>)
    %dma_wait3A_253 = arith.constant 1 : i32
    %dma_wait3A_254 = arith.constant 0 : i32
    %dma_wait3A_255 = arith.constant 0 : i32
    %dma_wait3A_256 = tpu.memref_slice %arg4[%add3A_243, %dma_wait3A_254, %dma_wait3A_255] : memref<384x224x224xf32, #tpu.memory_space<hbm>> -> memref<1x224x224xf32, #tpu.memory_space<hbm>>
    %dma_wait3A_257 = tpu.memref_slice %arg9[%dma_wait3A_253] : memref<2x!tpu.dma_semaphore, #tpu.memory_space<semaphore_mem>> -> memref<1x!tpu.dma_semaphore, #tpu.memory_space<semaphore_mem>>
    %dma_wait3A_258 = tpu.memref_squeeze %dma_wait3A_257 : memref<1x!tpu.dma_semaphore, #tpu.memory_space<semaphore_mem>> -> memref<!tpu.dma_semaphore, #tpu.memory_space<semaphore_mem>>
    %dma_wait3A_259 = arith.constant 0 : i32
    %dma_wait3A_260 = arith.constant 0 : i32
    %dma_wait3A_261 = tpu.memref_slice %arg4[%add3A_243, %dma_wait3A_259, %dma_wait3A_260] : memref<384x224x224xf32, #tpu.memory_space<hbm>> -> memref<1x224x224xf32, #tpu.memory_space<hbm>>
    tpu.wait_dma2 semaphore(%dma_wait3A_258 : memref<!tpu.dma_semaphore, #tpu.memory_space<semaphore_mem>>) src(%arg7 : memref<1x224x224xf32, #tpu.memory_space<vmem>>) dst(%dma_wait3A_261 : memref<1x224x224xf32, #tpu.memory_space<hbm>>)
    %slice3A_262 = vector.extract_strided_slice %get3A_2 {offsets = [7], sizes = [1], strides = [1]} : vector<16xi32> to vector<1xi32>
    %squeeze3A_263 = vector.extract %slice3A_262[0] : i32 from vector<1xi32>
    %dma_start3A_264 = arith.constant 1 : i32
    %dma_start3A_265 = arith.constant 0 : i32
    %dma_start3A_266 = arith.constant 0 : i32
    %dma_start3A_267 = tpu.memref_slice %arg2[%squeeze3A_263, %dma_start3A_265, %dma_start3A_266] : memref<576x224x224xf32, #tpu.memory_space<hbm>> -> memref<1x224x224xf32, #tpu.memory_space<hbm>>
    %dma_start3A_268 = tpu.memref_slice %arg8[%dma_start3A_264] : memref<2x!tpu.dma_semaphore, #tpu.memory_space<semaphore_mem>> -> memref<1x!tpu.dma_semaphore, #tpu.memory_space<semaphore_mem>>
    %dma_start3A_269 = tpu.memref_squeeze %dma_start3A_268 : memref<1x!tpu.dma_semaphore, #tpu.memory_space<semaphore_mem>> -> memref<!tpu.dma_semaphore, #tpu.memory_space<semaphore_mem>>
    %dma_start3A_270 = arith.constant 0 : i32
    %dma_start3A_271 = arith.constant 0 : i32
    %dma_start3A_272 = tpu.memref_slice %arg2[%squeeze3A_263, %dma_start3A_270, %dma_start3A_271] : memref<576x224x224xf32, #tpu.memory_space<hbm>> -> memref<1x224x224xf32, #tpu.memory_space<hbm>>
    tpu.enqueue_dma source(%dma_start3A_272 : memref<1x224x224xf32, #tpu.memory_space<hbm>>) target(%arg7 : memref<1x224x224xf32, #tpu.memory_space<vmem>>) target_semaphore(%dma_start3A_269 : memref<!tpu.dma_semaphore, #tpu.memory_space<semaphore_mem>>)
    %dma_wait3A_273 = arith.constant 0 : i32
    %dma_wait3A_274 = arith.constant 0 : i32
    %dma_wait3A_275 = arith.constant 0 : i32
    %dma_wait3A_276 = tpu.memref_slice %arg2[%squeeze3A_221, %dma_wait3A_274, %dma_wait3A_275] : memref<576x224x224xf32, #tpu.memory_space<hbm>> -> memref<1x224x224xf32, #tpu.memory_space<hbm>>
    %dma_wait3A_277 = tpu.memref_slice %arg8[%dma_wait3A_273] : memref<2x!tpu.dma_semaphore, #tpu.memory_space<semaphore_mem>> -> memref<1x!tpu.dma_semaphore, #tpu.memory_space<semaphore_mem>>
    %dma_wait3A_278 = tpu.memref_squeeze %dma_wait3A_277 : memref<1x!tpu.dma_semaphore, #tpu.memory_space<semaphore_mem>> -> memref<!tpu.dma_semaphore, #tpu.memory_space<semaphore_mem>>
    %dma_wait3A_279 = arith.constant 0 : i32
    %dma_wait3A_280 = arith.constant 0 : i32
    %dma_wait3A_281 = tpu.memref_slice %arg2[%squeeze3A_221, %dma_wait3A_279, %dma_wait3A_280] : memref<576x224x224xf32, #tpu.memory_space<hbm>> -> memref<1x224x224xf32, #tpu.memory_space<hbm>>
    tpu.wait_dma2 semaphore(%dma_wait3A_278 : memref<!tpu.dma_semaphore, #tpu.memory_space<semaphore_mem>>) src(%dma_wait3A_281 : memref<1x224x224xf32, #tpu.memory_space<hbm>>) dst(%arg6 : memref<1x224x224xf32, #tpu.memory_space<vmem>>)
    %mul3A_282 = arith.constant 12 : i32
    %mul3A_283 = arith.muli %add3A, %mul3A_282 : i32
    %add3A_284 = arith.constant 6 : i32
    %add3A_285 = arith.addi %mul3A_283, %add3A_284 : i32
    %dma_start3A_286 = arith.constant 0 : i32
    %dma_start3A_287 = arith.constant 0 : i32
    %dma_start3A_288 = arith.constant 0 : i32
    %dma_start3A_289 = tpu.memref_slice %arg4[%add3A_285, %dma_start3A_287, %dma_start3A_288] : memref<384x224x224xf32, #tpu.memory_space<hbm>> -> memref<1x224x224xf32, #tpu.memory_space<hbm>>
    %dma_start3A_290 = tpu.memref_slice %arg9[%dma_start3A_286] : memref<2x!tpu.dma_semaphore, #tpu.memory_space<semaphore_mem>> -> memref<1x!tpu.dma_semaphore, #tpu.memory_space<semaphore_mem>>
    %dma_start3A_291 = tpu.memref_squeeze %dma_start3A_290 : memref<1x!tpu.dma_semaphore, #tpu.memory_space<semaphore_mem>> -> memref<!tpu.dma_semaphore, #tpu.memory_space<semaphore_mem>>
    %dma_start3A_292 = arith.constant 0 : i32
    %dma_start3A_293 = arith.constant 0 : i32
    %dma_start3A_294 = tpu.memref_slice %arg4[%add3A_285, %dma_start3A_292, %dma_start3A_293] : memref<384x224x224xf32, #tpu.memory_space<hbm>> -> memref<1x224x224xf32, #tpu.memory_space<hbm>>
    tpu.enqueue_dma source(%arg6 : memref<1x224x224xf32, #tpu.memory_space<vmem>>) target(%dma_start3A_294 : memref<1x224x224xf32, #tpu.memory_space<hbm>>) target_semaphore(%dma_start3A_291 : memref<!tpu.dma_semaphore, #tpu.memory_space<semaphore_mem>>)
    %dma_wait3A_295 = arith.constant 0 : i32
    %dma_wait3A_296 = arith.constant 0 : i32
    %dma_wait3A_297 = arith.constant 0 : i32
    %dma_wait3A_298 = tpu.memref_slice %arg4[%add3A_285, %dma_wait3A_296, %dma_wait3A_297] : memref<384x224x224xf32, #tpu.memory_space<hbm>> -> memref<1x224x224xf32, #tpu.memory_space<hbm>>
    %dma_wait3A_299 = tpu.memref_slice %arg9[%dma_wait3A_295] : memref<2x!tpu.dma_semaphore, #tpu.memory_space<semaphore_mem>> -> memref<1x!tpu.dma_semaphore, #tpu.memory_space<semaphore_mem>>
    %dma_wait3A_300 = tpu.memref_squeeze %dma_wait3A_299 : memref<1x!tpu.dma_semaphore, #tpu.memory_space<semaphore_mem>> -> memref<!tpu.dma_semaphore, #tpu.memory_space<semaphore_mem>>
    %dma_wait3A_301 = arith.constant 0 : i32
    %dma_wait3A_302 = arith.constant 0 : i32
    %dma_wait3A_303 = tpu.memref_slice %arg4[%add3A_285, %dma_wait3A_301, %dma_wait3A_302] : memref<384x224x224xf32, #tpu.memory_space<hbm>> -> memref<1x224x224xf32, #tpu.memory_space<hbm>>
    tpu.wait_dma2 semaphore(%dma_wait3A_300 : memref<!tpu.dma_semaphore, #tpu.memory_space<semaphore_mem>>) src(%arg6 : memref<1x224x224xf32, #tpu.memory_space<vmem>>) dst(%dma_wait3A_303 : memref<1x224x224xf32, #tpu.memory_space<hbm>>)
    %slice3A_304 = vector.extract_strided_slice %get3A_2 {offsets = [8], sizes = [1], strides = [1]} : vector<16xi32> to vector<1xi32>
    %squeeze3A_305 = vector.extract %slice3A_304[0] : i32 from vector<1xi32>
    %dma_start3A_306 = arith.constant 0 : i32
    %dma_start3A_307 = arith.constant 0 : i32
    %dma_start3A_308 = arith.constant 0 : i32
    %dma_start3A_309 = tpu.memref_slice %arg2[%squeeze3A_305, %dma_start3A_307, %dma_start3A_308] : memref<576x224x224xf32, #tpu.memory_space<hbm>> -> memref<1x224x224xf32, #tpu.memory_space<hbm>>
    %dma_start3A_310 = tpu.memref_slice %arg8[%dma_start3A_306] : memref<2x!tpu.dma_semaphore, #tpu.memory_space<semaphore_mem>> -> memref<1x!tpu.dma_semaphore, #tpu.memory_space<semaphore_mem>>
    %dma_start3A_311 = tpu.memref_squeeze %dma_start3A_310 : memref<1x!tpu.dma_semaphore, #tpu.memory_space<semaphore_mem>> -> memref<!tpu.dma_semaphore, #tpu.memory_space<semaphore_mem>>
    %dma_start3A_312 = arith.constant 0 : i32
    %dma_start3A_313 = arith.constant 0 : i32
    %dma_start3A_314 = tpu.memref_slice %arg2[%squeeze3A_305, %dma_start3A_312, %dma_start3A_313] : memref<576x224x224xf32, #tpu.memory_space<hbm>> -> memref<1x224x224xf32, #tpu.memory_space<hbm>>
    tpu.enqueue_dma source(%dma_start3A_314 : memref<1x224x224xf32, #tpu.memory_space<hbm>>) target(%arg6 : memref<1x224x224xf32, #tpu.memory_space<vmem>>) target_semaphore(%dma_start3A_311 : memref<!tpu.dma_semaphore, #tpu.memory_space<semaphore_mem>>)
    %dma_wait3A_315 = arith.constant 1 : i32
    %dma_wait3A_316 = arith.constant 0 : i32
    %dma_wait3A_317 = arith.constant 0 : i32
    %dma_wait3A_318 = tpu.memref_slice %arg2[%squeeze3A_263, %dma_wait3A_316, %dma_wait3A_317] : memref<576x224x224xf32, #tpu.memory_space<hbm>> -> memref<1x224x224xf32, #tpu.memory_space<hbm>>
    %dma_wait3A_319 = tpu.memref_slice %arg8[%dma_wait3A_315] : memref<2x!tpu.dma_semaphore, #tpu.memory_space<semaphore_mem>> -> memref<1x!tpu.dma_semaphore, #tpu.memory_space<semaphore_mem>>
    %dma_wait3A_320 = tpu.memref_squeeze %dma_wait3A_319 : memref<1x!tpu.dma_semaphore, #tpu.memory_space<semaphore_mem>> -> memref<!tpu.dma_semaphore, #tpu.memory_space<semaphore_mem>>
    %dma_wait3A_321 = arith.constant 0 : i32
    %dma_wait3A_322 = arith.constant 0 : i32
    %dma_wait3A_323 = tpu.memref_slice %arg2[%squeeze3A_263, %dma_wait3A_321, %dma_wait3A_322] : memref<576x224x224xf32, #tpu.memory_space<hbm>> -> memref<1x224x224xf32, #tpu.memory_space<hbm>>
    tpu.wait_dma2 semaphore(%dma_wait3A_320 : memref<!tpu.dma_semaphore, #tpu.memory_space<semaphore_mem>>) src(%dma_wait3A_323 : memref<1x224x224xf32, #tpu.memory_space<hbm>>) dst(%arg7 : memref<1x224x224xf32, #tpu.memory_space<vmem>>)
    %mul3A_324 = arith.constant 12 : i32
    %mul3A_325 = arith.muli %add3A, %mul3A_324 : i32
    %add3A_326 = arith.constant 7 : i32
    %add3A_327 = arith.addi %mul3A_325, %add3A_326 : i32
    %dma_start3A_328 = arith.constant 1 : i32
    %dma_start3A_329 = arith.constant 0 : i32
    %dma_start3A_330 = arith.constant 0 : i32
    %dma_start3A_331 = tpu.memref_slice %arg4[%add3A_327, %dma_start3A_329, %dma_start3A_330] : memref<384x224x224xf32, #tpu.memory_space<hbm>> -> memref<1x224x224xf32, #tpu.memory_space<hbm>>
    %dma_start3A_332 = tpu.memref_slice %arg9[%dma_start3A_328] : memref<2x!tpu.dma_semaphore, #tpu.memory_space<semaphore_mem>> -> memref<1x!tpu.dma_semaphore, #tpu.memory_space<semaphore_mem>>
    %dma_start3A_333 = tpu.memref_squeeze %dma_start3A_332 : memref<1x!tpu.dma_semaphore, #tpu.memory_space<semaphore_mem>> -> memref<!tpu.dma_semaphore, #tpu.memory_space<semaphore_mem>>
    %dma_start3A_334 = arith.constant 0 : i32
    %dma_start3A_335 = arith.constant 0 : i32
    %dma_start3A_336 = tpu.memref_slice %arg4[%add3A_327, %dma_start3A_334, %dma_start3A_335] : memref<384x224x224xf32, #tpu.memory_space<hbm>> -> memref<1x224x224xf32, #tpu.memory_space<hbm>>
    tpu.enqueue_dma source(%arg7 : memref<1x224x224xf32, #tpu.memory_space<vmem>>) target(%dma_start3A_336 : memref<1x224x224xf32, #tpu.memory_space<hbm>>) target_semaphore(%dma_start3A_333 : memref<!tpu.dma_semaphore, #tpu.memory_space<semaphore_mem>>)
    %dma_wait3A_337 = arith.constant 1 : i32
    %dma_wait3A_338 = arith.constant 0 : i32
    %dma_wait3A_339 = arith.constant 0 : i32
    %dma_wait3A_340 = tpu.memref_slice %arg4[%add3A_327, %dma_wait3A_338, %dma_wait3A_339] : memref<384x224x224xf32, #tpu.memory_space<hbm>> -> memref<1x224x224xf32, #tpu.memory_space<hbm>>
    %dma_wait3A_341 = tpu.memref_slice %arg9[%dma_wait3A_337] : memref<2x!tpu.dma_semaphore, #tpu.memory_space<semaphore_mem>> -> memref<1x!tpu.dma_semaphore, #tpu.memory_space<semaphore_mem>>
    %dma_wait3A_342 = tpu.memref_squeeze %dma_wait3A_341 : memref<1x!tpu.dma_semaphore, #tpu.memory_space<semaphore_mem>> -> memref<!tpu.dma_semaphore, #tpu.memory_space<semaphore_mem>>
    %dma_wait3A_343 = arith.constant 0 : i32
    %dma_wait3A_344 = arith.constant 0 : i32
    %dma_wait3A_345 = tpu.memref_slice %arg4[%add3A_327, %dma_wait3A_343, %dma_wait3A_344] : memref<384x224x224xf32, #tpu.memory_space<hbm>> -> memref<1x224x224xf32, #tpu.memory_space<hbm>>
    tpu.wait_dma2 semaphore(%dma_wait3A_342 : memref<!tpu.dma_semaphore, #tpu.memory_space<semaphore_mem>>) src(%arg7 : memref<1x224x224xf32, #tpu.memory_space<vmem>>) dst(%dma_wait3A_345 : memref<1x224x224xf32, #tpu.memory_space<hbm>>)
    %slice3A_346 = vector.extract_strided_slice %get3A_2 {offsets = [9], sizes = [1], strides = [1]} : vector<16xi32> to vector<1xi32>
    %squeeze3A_347 = vector.extract %slice3A_346[0] : i32 from vector<1xi32>
    %dma_start3A_348 = arith.constant 1 : i32
    %dma_start3A_349 = arith.constant 0 : i32
    %dma_start3A_350 = arith.constant 0 : i32
    %dma_start3A_351 = tpu.memref_slice %arg2[%squeeze3A_347, %dma_start3A_349, %dma_start3A_350] : memref<576x224x224xf32, #tpu.memory_space<hbm>> -> memref<1x224x224xf32, #tpu.memory_space<hbm>>
    %dma_start3A_352 = tpu.memref_slice %arg8[%dma_start3A_348] : memref<2x!tpu.dma_semaphore, #tpu.memory_space<semaphore_mem>> -> memref<1x!tpu.dma_semaphore, #tpu.memory_space<semaphore_mem>>
    %dma_start3A_353 = tpu.memref_squeeze %dma_start3A_352 : memref<1x!tpu.dma_semaphore, #tpu.memory_space<semaphore_mem>> -> memref<!tpu.dma_semaphore, #tpu.memory_space<semaphore_mem>>
    %dma_start3A_354 = arith.constant 0 : i32
    %dma_start3A_355 = arith.constant 0 : i32
    %dma_start3A_356 = tpu.memref_slice %arg2[%squeeze3A_347, %dma_start3A_354, %dma_start3A_355] : memref<576x224x224xf32, #tpu.memory_space<hbm>> -> memref<1x224x224xf32, #tpu.memory_space<hbm>>
    tpu.enqueue_dma source(%dma_start3A_356 : memref<1x224x224xf32, #tpu.memory_space<hbm>>) target(%arg7 : memref<1x224x224xf32, #tpu.memory_space<vmem>>) target_semaphore(%dma_start3A_353 : memref<!tpu.dma_semaphore, #tpu.memory_space<semaphore_mem>>)
    %dma_wait3A_357 = arith.constant 0 : i32
    %dma_wait3A_358 = arith.constant 0 : i32
    %dma_wait3A_359 = arith.constant 0 : i32
    %dma_wait3A_360 = tpu.memref_slice %arg2[%squeeze3A_305, %dma_wait3A_358, %dma_wait3A_359] : memref<576x224x224xf32, #tpu.memory_space<hbm>> -> memref<1x224x224xf32, #tpu.memory_space<hbm>>
    %dma_wait3A_361 = tpu.memref_slice %arg8[%dma_wait3A_357] : memref<2x!tpu.dma_semaphore, #tpu.memory_space<semaphore_mem>> -> memref<1x!tpu.dma_semaphore, #tpu.memory_space<semaphore_mem>>
    %dma_wait3A_362 = tpu.memref_squeeze %dma_wait3A_361 : memref<1x!tpu.dma_semaphore, #tpu.memory_space<semaphore_mem>> -> memref<!tpu.dma_semaphore, #tpu.memory_space<semaphore_mem>>
    %dma_wait3A_363 = arith.constant 0 : i32
    %dma_wait3A_364 = arith.constant 0 : i32
    %dma_wait3A_365 = tpu.memref_slice %arg2[%squeeze3A_305, %dma_wait3A_363, %dma_wait3A_364] : memref<576x224x224xf32, #tpu.memory_space<hbm>> -> memref<1x224x224xf32, #tpu.memory_space<hbm>>
    tpu.wait_dma2 semaphore(%dma_wait3A_362 : memref<!tpu.dma_semaphore, #tpu.memory_space<semaphore_mem>>) src(%dma_wait3A_365 : memref<1x224x224xf32, #tpu.memory_space<hbm>>) dst(%arg6 : memref<1x224x224xf32, #tpu.memory_space<vmem>>)
    %mul3A_366 = arith.constant 12 : i32
    %mul3A_367 = arith.muli %add3A, %mul3A_366 : i32
    %add3A_368 = arith.constant 8 : i32
    %add3A_369 = arith.addi %mul3A_367, %add3A_368 : i32
    %dma_start3A_370 = arith.constant 0 : i32
    %dma_start3A_371 = arith.constant 0 : i32
    %dma_start3A_372 = arith.constant 0 : i32
    %dma_start3A_373 = tpu.memref_slice %arg4[%add3A_369, %dma_start3A_371, %dma_start3A_372] : memref<384x224x224xf32, #tpu.memory_space<hbm>> -> memref<1x224x224xf32, #tpu.memory_space<hbm>>
    %dma_start3A_374 = tpu.memref_slice %arg9[%dma_start3A_370] : memref<2x!tpu.dma_semaphore, #tpu.memory_space<semaphore_mem>> -> memref<1x!tpu.dma_semaphore, #tpu.memory_space<semaphore_mem>>
    %dma_start3A_375 = tpu.memref_squeeze %dma_start3A_374 : memref<1x!tpu.dma_semaphore, #tpu.memory_space<semaphore_mem>> -> memref<!tpu.dma_semaphore, #tpu.memory_space<semaphore_mem>>
    %dma_start3A_376 = arith.constant 0 : i32
    %dma_start3A_377 = arith.constant 0 : i32
    %dma_start3A_378 = tpu.memref_slice %arg4[%add3A_369, %dma_start3A_376, %dma_start3A_377] : memref<384x224x224xf32, #tpu.memory_space<hbm>> -> memref<1x224x224xf32, #tpu.memory_space<hbm>>
    tpu.enqueue_dma source(%arg6 : memref<1x224x224xf32, #tpu.memory_space<vmem>>) target(%dma_start3A_378 : memref<1x224x224xf32, #tpu.memory_space<hbm>>) target_semaphore(%dma_start3A_375 : memref<!tpu.dma_semaphore, #tpu.memory_space<semaphore_mem>>)
    %dma_wait3A_379 = arith.constant 0 : i32
    %dma_wait3A_380 = arith.constant 0 : i32
    %dma_wait3A_381 = arith.constant 0 : i32
    %dma_wait3A_382 = tpu.memref_slice %arg4[%add3A_369, %dma_wait3A_380, %dma_wait3A_381] : memref<384x224x224xf32, #tpu.memory_space<hbm>> -> memref<1x224x224xf32, #tpu.memory_space<hbm>>
    %dma_wait3A_383 = tpu.memref_slice %arg9[%dma_wait3A_379] : memref<2x!tpu.dma_semaphore, #tpu.memory_space<semaphore_mem>> -> memref<1x!tpu.dma_semaphore, #tpu.memory_space<semaphore_mem>>
    %dma_wait3A_384 = tpu.memref_squeeze %dma_wait3A_383 : memref<1x!tpu.dma_semaphore, #tpu.memory_space<semaphore_mem>> -> memref<!tpu.dma_semaphore, #tpu.memory_space<semaphore_mem>>
    %dma_wait3A_385 = arith.constant 0 : i32
    %dma_wait3A_386 = arith.constant 0 : i32
    %dma_wait3A_387 = tpu.memref_slice %arg4[%add3A_369, %dma_wait3A_385, %dma_wait3A_386] : memref<384x224x224xf32, #tpu.memory_space<hbm>> -> memref<1x224x224xf32, #tpu.memory_space<hbm>>
    tpu.wait_dma2 semaphore(%dma_wait3A_384 : memref<!tpu.dma_semaphore, #tpu.memory_space<semaphore_mem>>) src(%arg6 : memref<1x224x224xf32, #tpu.memory_space<vmem>>) dst(%dma_wait3A_387 : memref<1x224x224xf32, #tpu.memory_space<hbm>>)
    %slice3A_388 = vector.extract_strided_slice %get3A_2 {offsets = [10], sizes = [1], strides = [1]} : vector<16xi32> to vector<1xi32>
    %squeeze3A_389 = vector.extract %slice3A_388[0] : i32 from vector<1xi32>
    %dma_start3A_390 = arith.constant 0 : i32
    %dma_start3A_391 = arith.constant 0 : i32
    %dma_start3A_392 = arith.constant 0 : i32
    %dma_start3A_393 = tpu.memref_slice %arg2[%squeeze3A_389, %dma_start3A_391, %dma_start3A_392] : memref<576x224x224xf32, #tpu.memory_space<hbm>> -> memref<1x224x224xf32, #tpu.memory_space<hbm>>
    %dma_start3A_394 = tpu.memref_slice %arg8[%dma_start3A_390] : memref<2x!tpu.dma_semaphore, #tpu.memory_space<semaphore_mem>> -> memref<1x!tpu.dma_semaphore, #tpu.memory_space<semaphore_mem>>
    %dma_start3A_395 = tpu.memref_squeeze %dma_start3A_394 : memref<1x!tpu.dma_semaphore, #tpu.memory_space<semaphore_mem>> -> memref<!tpu.dma_semaphore, #tpu.memory_space<semaphore_mem>>
    %dma_start3A_396 = arith.constant 0 : i32
    %dma_start3A_397 = arith.constant 0 : i32
    %dma_start3A_398 = tpu.memref_slice %arg2[%squeeze3A_389, %dma_start3A_396, %dma_start3A_397] : memref<576x224x224xf32, #tpu.memory_space<hbm>> -> memref<1x224x224xf32, #tpu.memory_space<hbm>>
    tpu.enqueue_dma source(%dma_start3A_398 : memref<1x224x224xf32, #tpu.memory_space<hbm>>) target(%arg6 : memref<1x224x224xf32, #tpu.memory_space<vmem>>) target_semaphore(%dma_start3A_395 : memref<!tpu.dma_semaphore, #tpu.memory_space<semaphore_mem>>)
    %dma_wait3A_399 = arith.constant 1 : i32
    %dma_wait3A_400 = arith.constant 0 : i32
    %dma_wait3A_401 = arith.constant 0 : i32
    %dma_wait3A_402 = tpu.memref_slice %arg2[%squeeze3A_347, %dma_wait3A_400, %dma_wait3A_401] : memref<576x224x224xf32, #tpu.memory_space<hbm>> -> memref<1x224x224xf32, #tpu.memory_space<hbm>>
    %dma_wait3A_403 = tpu.memref_slice %arg8[%dma_wait3A_399] : memref<2x!tpu.dma_semaphore, #tpu.memory_space<semaphore_mem>> -> memref<1x!tpu.dma_semaphore, #tpu.memory_space<semaphore_mem>>
    %dma_wait3A_404 = tpu.memref_squeeze %dma_wait3A_403 : memref<1x!tpu.dma_semaphore, #tpu.memory_space<semaphore_mem>> -> memref<!tpu.dma_semaphore, #tpu.memory_space<semaphore_mem>>
    %dma_wait3A_405 = arith.constant 0 : i32
    %dma_wait3A_406 = arith.constant 0 : i32
    %dma_wait3A_407 = tpu.memref_slice %arg2[%squeeze3A_347, %dma_wait3A_405, %dma_wait3A_406] : memref<576x224x224xf32, #tpu.memory_space<hbm>> -> memref<1x224x224xf32, #tpu.memory_space<hbm>>
    tpu.wait_dma2 semaphore(%dma_wait3A_404 : memref<!tpu.dma_semaphore, #tpu.memory_space<semaphore_mem>>) src(%dma_wait3A_407 : memref<1x224x224xf32, #tpu.memory_space<hbm>>) dst(%arg7 : memref<1x224x224xf32, #tpu.memory_space<vmem>>)
    %mul3A_408 = arith.constant 12 : i32
    %mul3A_409 = arith.muli %add3A, %mul3A_408 : i32
    %add3A_410 = arith.constant 9 : i32
    %add3A_411 = arith.addi %mul3A_409, %add3A_410 : i32
    %dma_start3A_412 = arith.constant 1 : i32
    %dma_start3A_413 = arith.constant 0 : i32
    %dma_start3A_414 = arith.constant 0 : i32
    %dma_start3A_415 = tpu.memref_slice %arg4[%add3A_411, %dma_start3A_413, %dma_start3A_414] : memref<384x224x224xf32, #tpu.memory_space<hbm>> -> memref<1x224x224xf32, #tpu.memory_space<hbm>>
    %dma_start3A_416 = tpu.memref_slice %arg9[%dma_start3A_412] : memref<2x!tpu.dma_semaphore, #tpu.memory_space<semaphore_mem>> -> memref<1x!tpu.dma_semaphore, #tpu.memory_space<semaphore_mem>>
    %dma_start3A_417 = tpu.memref_squeeze %dma_start3A_416 : memref<1x!tpu.dma_semaphore, #tpu.memory_space<semaphore_mem>> -> memref<!tpu.dma_semaphore, #tpu.memory_space<semaphore_mem>>
    %dma_start3A_418 = arith.constant 0 : i32
    %dma_start3A_419 = arith.constant 0 : i32
    %dma_start3A_420 = tpu.memref_slice %arg4[%add3A_411, %dma_start3A_418, %dma_start3A_419] : memref<384x224x224xf32, #tpu.memory_space<hbm>> -> memref<1x224x224xf32, #tpu.memory_space<hbm>>
    tpu.enqueue_dma source(%arg7 : memref<1x224x224xf32, #tpu.memory_space<vmem>>) target(%dma_start3A_420 : memref<1x224x224xf32, #tpu.memory_space<hbm>>) target_semaphore(%dma_start3A_417 : memref<!tpu.dma_semaphore, #tpu.memory_space<semaphore_mem>>)
    %dma_wait3A_421 = arith.constant 1 : i32
    %dma_wait3A_422 = arith.constant 0 : i32
    %dma_wait3A_423 = arith.constant 0 : i32
    %dma_wait3A_424 = tpu.memref_slice %arg4[%add3A_411, %dma_wait3A_422, %dma_wait3A_423] : memref<384x224x224xf32, #tpu.memory_space<hbm>> -> memref<1x224x224xf32, #tpu.memory_space<hbm>>
    %dma_wait3A_425 = tpu.memref_slice %arg9[%dma_wait3A_421] : memref<2x!tpu.dma_semaphore, #tpu.memory_space<semaphore_mem>> -> memref<1x!tpu.dma_semaphore, #tpu.memory_space<semaphore_mem>>
    %dma_wait3A_426 = tpu.memref_squeeze %dma_wait3A_425 : memref<1x!tpu.dma_semaphore, #tpu.memory_space<semaphore_mem>> -> memref<!tpu.dma_semaphore, #tpu.memory_space<semaphore_mem>>
    %dma_wait3A_427 = arith.constant 0 : i32
    %dma_wait3A_428 = arith.constant 0 : i32
    %dma_wait3A_429 = tpu.memref_slice %arg4[%add3A_411, %dma_wait3A_427, %dma_wait3A_428] : memref<384x224x224xf32, #tpu.memory_space<hbm>> -> memref<1x224x224xf32, #tpu.memory_space<hbm>>
    tpu.wait_dma2 semaphore(%dma_wait3A_426 : memref<!tpu.dma_semaphore, #tpu.memory_space<semaphore_mem>>) src(%arg7 : memref<1x224x224xf32, #tpu.memory_space<vmem>>) dst(%dma_wait3A_429 : memref<1x224x224xf32, #tpu.memory_space<hbm>>)
    %slice3A_430 = vector.extract_strided_slice %get3A_2 {offsets = [11], sizes = [1], strides = [1]} : vector<16xi32> to vector<1xi32>
    %squeeze3A_431 = vector.extract %slice3A_430[0] : i32 from vector<1xi32>
    %dma_start3A_432 = arith.constant 1 : i32
    %dma_start3A_433 = arith.constant 0 : i32
    %dma_start3A_434 = arith.constant 0 : i32
    %dma_start3A_435 = tpu.memref_slice %arg2[%squeeze3A_431, %dma_start3A_433, %dma_start3A_434] : memref<576x224x224xf32, #tpu.memory_space<hbm>> -> memref<1x224x224xf32, #tpu.memory_space<hbm>>
    %dma_start3A_436 = tpu.memref_slice %arg8[%dma_start3A_432] : memref<2x!tpu.dma_semaphore, #tpu.memory_space<semaphore_mem>> -> memref<1x!tpu.dma_semaphore, #tpu.memory_space<semaphore_mem>>
    %dma_start3A_437 = tpu.memref_squeeze %dma_start3A_436 : memref<1x!tpu.dma_semaphore, #tpu.memory_space<semaphore_mem>> -> memref<!tpu.dma_semaphore, #tpu.memory_space<semaphore_mem>>
    %dma_start3A_438 = arith.constant 0 : i32
    %dma_start3A_439 = arith.constant 0 : i32
    %dma_start3A_440 = tpu.memref_slice %arg2[%squeeze3A_431, %dma_start3A_438, %dma_start3A_439] : memref<576x224x224xf32, #tpu.memory_space<hbm>> -> memref<1x224x224xf32, #tpu.memory_space<hbm>>
    tpu.enqueue_dma source(%dma_start3A_440 : memref<1x224x224xf32, #tpu.memory_space<hbm>>) target(%arg7 : memref<1x224x224xf32, #tpu.memory_space<vmem>>) target_semaphore(%dma_start3A_437 : memref<!tpu.dma_semaphore, #tpu.memory_space<semaphore_mem>>)
    %dma_wait3A_441 = arith.constant 0 : i32
    %dma_wait3A_442 = arith.constant 0 : i32
    %dma_wait3A_443 = arith.constant 0 : i32
    %dma_wait3A_444 = tpu.memref_slice %arg2[%squeeze3A_389, %dma_wait3A_442, %dma_wait3A_443] : memref<576x224x224xf32, #tpu.memory_space<hbm>> -> memref<1x224x224xf32, #tpu.memory_space<hbm>>
    %dma_wait3A_445 = tpu.memref_slice %arg8[%dma_wait3A_441] : memref<2x!tpu.dma_semaphore, #tpu.memory_space<semaphore_mem>> -> memref<1x!tpu.dma_semaphore, #tpu.memory_space<semaphore_mem>>
    %dma_wait3A_446 = tpu.memref_squeeze %dma_wait3A_445 : memref<1x!tpu.dma_semaphore, #tpu.memory_space<semaphore_mem>> -> memref<!tpu.dma_semaphore, #tpu.memory_space<semaphore_mem>>
    %dma_wait3A_447 = arith.constant 0 : i32
    %dma_wait3A_448 = arith.constant 0 : i32
    %dma_wait3A_449 = tpu.memref_slice %arg2[%squeeze3A_389, %dma_wait3A_447, %dma_wait3A_448] : memref<576x224x224xf32, #tpu.memory_space<hbm>> -> memref<1x224x224xf32, #tpu.memory_space<hbm>>
    tpu.wait_dma2 semaphore(%dma_wait3A_446 : memref<!tpu.dma_semaphore, #tpu.memory_space<semaphore_mem>>) src(%dma_wait3A_449 : memref<1x224x224xf32, #tpu.memory_space<hbm>>) dst(%arg6 : memref<1x224x224xf32, #tpu.memory_space<vmem>>)
    %mul3A_450 = arith.constant 12 : i32
    %mul3A_451 = arith.muli %add3A, %mul3A_450 : i32
    %add3A_452 = arith.constant 10 : i32
    %add3A_453 = arith.addi %mul3A_451, %add3A_452 : i32
    %dma_start3A_454 = arith.constant 0 : i32
    %dma_start3A_455 = arith.constant 0 : i32
    %dma_start3A_456 = arith.constant 0 : i32
    %dma_start3A_457 = tpu.memref_slice %arg4[%add3A_453, %dma_start3A_455, %dma_start3A_456] : memref<384x224x224xf32, #tpu.memory_space<hbm>> -> memref<1x224x224xf32, #tpu.memory_space<hbm>>
    %dma_start3A_458 = tpu.memref_slice %arg9[%dma_start3A_454] : memref<2x!tpu.dma_semaphore, #tpu.memory_space<semaphore_mem>> -> memref<1x!tpu.dma_semaphore, #tpu.memory_space<semaphore_mem>>
    %dma_start3A_459 = tpu.memref_squeeze %dma_start3A_458 : memref<1x!tpu.dma_semaphore, #tpu.memory_space<semaphore_mem>> -> memref<!tpu.dma_semaphore, #tpu.memory_space<semaphore_mem>>
    %dma_start3A_460 = arith.constant 0 : i32
    %dma_start3A_461 = arith.constant 0 : i32
    %dma_start3A_462 = tpu.memref_slice %arg4[%add3A_453, %dma_start3A_460, %dma_start3A_461] : memref<384x224x224xf32, #tpu.memory_space<hbm>> -> memref<1x224x224xf32, #tpu.memory_space<hbm>>
    tpu.enqueue_dma source(%arg6 : memref<1x224x224xf32, #tpu.memory_space<vmem>>) target(%dma_start3A_462 : memref<1x224x224xf32, #tpu.memory_space<hbm>>) target_semaphore(%dma_start3A_459 : memref<!tpu.dma_semaphore, #tpu.memory_space<semaphore_mem>>)
    %dma_wait3A_463 = arith.constant 1 : i32
    %dma_wait3A_464 = arith.constant 0 : i32
    %dma_wait3A_465 = arith.constant 0 : i32
    %dma_wait3A_466 = tpu.memref_slice %arg2[%squeeze3A_431, %dma_wait3A_464, %dma_wait3A_465] : memref<576x224x224xf32, #tpu.memory_space<hbm>> -> memref<1x224x224xf32, #tpu.memory_space<hbm>>
    %dma_wait3A_467 = tpu.memref_slice %arg8[%dma_wait3A_463] : memref<2x!tpu.dma_semaphore, #tpu.memory_space<semaphore_mem>> -> memref<1x!tpu.dma_semaphore, #tpu.memory_space<semaphore_mem>>
    %dma_wait3A_468 = tpu.memref_squeeze %dma_wait3A_467 : memref<1x!tpu.dma_semaphore, #tpu.memory_space<semaphore_mem>> -> memref<!tpu.dma_semaphore, #tpu.memory_space<semaphore_mem>>
    %dma_wait3A_469 = arith.constant 0 : i32
    %dma_wait3A_470 = arith.constant 0 : i32
    %dma_wait3A_471 = tpu.memref_slice %arg2[%squeeze3A_431, %dma_wait3A_469, %dma_wait3A_470] : memref<576x224x224xf32, #tpu.memory_space<hbm>> -> memref<1x224x224xf32, #tpu.memory_space<hbm>>
    tpu.wait_dma2 semaphore(%dma_wait3A_468 : memref<!tpu.dma_semaphore, #tpu.memory_space<semaphore_mem>>) src(%dma_wait3A_471 : memref<1x224x224xf32, #tpu.memory_space<hbm>>) dst(%arg7 : memref<1x224x224xf32, #tpu.memory_space<vmem>>)
    %mul3A_472 = arith.constant 12 : i32
    %mul3A_473 = arith.muli %add3A, %mul3A_472 : i32
    %add3A_474 = arith.constant 11 : i32
    %add3A_475 = arith.addi %mul3A_473, %add3A_474 : i32
    %dma_start3A_476 = arith.constant 1 : i32
    %dma_start3A_477 = arith.constant 0 : i32
    %dma_start3A_478 = arith.constant 0 : i32
    %dma_start3A_479 = tpu.memref_slice %arg4[%add3A_475, %dma_start3A_477, %dma_start3A_478] : memref<384x224x224xf32, #tpu.memory_space<hbm>> -> memref<1x224x224xf32, #tpu.memory_space<hbm>>
    %dma_start3A_480 = tpu.memref_slice %arg9[%dma_start3A_476] : memref<2x!tpu.dma_semaphore, #tpu.memory_space<semaphore_mem>> -> memref<1x!tpu.dma_semaphore, #tpu.memory_space<semaphore_mem>>
    %dma_start3A_481 = tpu.memref_squeeze %dma_start3A_480 : memref<1x!tpu.dma_semaphore, #tpu.memory_space<semaphore_mem>> -> memref<!tpu.dma_semaphore, #tpu.memory_space<semaphore_mem>>
    %dma_start3A_482 = arith.constant 0 : i32
    %dma_start3A_483 = arith.constant 0 : i32
    %dma_start3A_484 = tpu.memref_slice %arg4[%add3A_475, %dma_start3A_482, %dma_start3A_483] : memref<384x224x224xf32, #tpu.memory_space<hbm>> -> memref<1x224x224xf32, #tpu.memory_space<hbm>>
    tpu.enqueue_dma source(%arg7 : memref<1x224x224xf32, #tpu.memory_space<vmem>>) target(%dma_start3A_484 : memref<1x224x224xf32, #tpu.memory_space<hbm>>) target_semaphore(%dma_start3A_481 : memref<!tpu.dma_semaphore, #tpu.memory_space<semaphore_mem>>)
    %dma_wait3A_485 = arith.constant 0 : i32
    %dma_wait3A_486 = arith.constant 0 : i32
    %dma_wait3A_487 = arith.constant 0 : i32
    %dma_wait3A_488 = tpu.memref_slice %arg4[%add3A_453, %dma_wait3A_486, %dma_wait3A_487] : memref<384x224x224xf32, #tpu.memory_space<hbm>> -> memref<1x224x224xf32, #tpu.memory_space<hbm>>
    %dma_wait3A_489 = tpu.memref_slice %arg9[%dma_wait3A_485] : memref<2x!tpu.dma_semaphore, #tpu.memory_space<semaphore_mem>> -> memref<1x!tpu.dma_semaphore, #tpu.memory_space<semaphore_mem>>
    %dma_wait3A_490 = tpu.memref_squeeze %dma_wait3A_489 : memref<1x!tpu.dma_semaphore, #tpu.memory_space<semaphore_mem>> -> memref<!tpu.dma_semaphore, #tpu.memory_space<semaphore_mem>>
    %dma_wait3A_491 = arith.constant 0 : i32
    %dma_wait3A_492 = arith.constant 0 : i32
    %dma_wait3A_493 = tpu.memref_slice %arg4[%add3A_453, %dma_wait3A_491, %dma_wait3A_492] : memref<384x224x224xf32, #tpu.memory_space<hbm>> -> memref<1x224x224xf32, #tpu.memory_space<hbm>>
    tpu.wait_dma2 semaphore(%dma_wait3A_490 : memref<!tpu.dma_semaphore, #tpu.memory_space<semaphore_mem>>) src(%arg6 : memref<1x224x224xf32, #tpu.memory_space<vmem>>) dst(%dma_wait3A_493 : memref<1x224x224xf32, #tpu.memory_space<hbm>>)
    %dma_wait3A_494 = arith.constant 1 : i32
    %dma_wait3A_495 = arith.constant 0 : i32
    %dma_wait3A_496 = arith.constant 0 : i32
    %dma_wait3A_497 = tpu.memref_slice %arg4[%add3A_475, %dma_wait3A_495, %dma_wait3A_496] : memref<384x224x224xf32, #tpu.memory_space<hbm>> -> memref<1x224x224xf32, #tpu.memory_space<hbm>>
    %dma_wait3A_498 = tpu.memref_slice %arg9[%dma_wait3A_494] : memref<2x!tpu.dma_semaphore, #tpu.memory_space<semaphore_mem>> -> memref<1x!tpu.dma_semaphore, #tpu.memory_space<semaphore_mem>>
    %dma_wait3A_499 = tpu.memref_squeeze %dma_wait3A_498 : memref<1x!tpu.dma_semaphore, #tpu.memory_space<semaphore_mem>> -> memref<!tpu.dma_semaphore, #tpu.memory_space<semaphore_mem>>
    %dma_wait3A_500 = arith.constant 0 : i32
    %dma_wait3A_501 = arith.constant 0 : i32
    %dma_wait3A_502 = tpu.memref_slice %arg4[%add3A_475, %dma_wait3A_500, %dma_wait3A_501] : memref<384x224x224xf32, #tpu.memory_space<hbm>> -> memref<1x224x224xf32, #tpu.memory_space<hbm>>
    tpu.wait_dma2 semaphore(%dma_wait3A_499 : memref<!tpu.dma_semaphore, #tpu.memory_space<semaphore_mem>>) src(%arg7 : memref<1x224x224xf32, #tpu.memory_space<vmem>>) dst(%dma_wait3A_502 : memref<1x224x224xf32, #tpu.memory_space<hbm>>)
    return
  }
}

module attributes {stable_mosaic.version = 14 : i64} {
  func.func @_tc_copy_body(%arg0: i32, %arg1: i32, %arg2: memref<8x8xi32, #tpu.memory_space<smem>>, %arg3: memref<1x1x3x224x224xf32, #tpu.memory_space<vmem>>, %arg4: memref<1x1x3x224x224xf32, #tpu.memory_space<vmem>>) attributes {dimension_semantics = [#tpu.dimension_semantics<arbitrary>, #tpu.dimension_semantics<arbitrary>], iteration_bounds = array<i64: 8, 8>, scalar_prefetch = 1 : i64, scratch_operands = 0 : i64, tpu.core_type = #tpu.core_type<tc>, window_params = [{transform_indices = @transform_0, window_bounds = array<i64: 1, 1, 3, 224, 224>}, {transform_indices = @transform_1, window_bounds = array<i64: 1, 1, 3, 224, 224>}]} {
    %get3A = arith.constant 0 : index
    %get3A_0 = arith.constant 0 : index
    %get3A_1 = arith.constant 0 : index
    %get3A_2 = arith.constant 0 : index
    %get3A_3 = arith.constant 0 : index
    %get3A_4 = vector.load %arg3[%get3A, %get3A_0, %get3A_1, %get3A_2, %get3A_3] : memref<1x1x3x224x224xf32, #tpu.memory_space<vmem>>, vector<1x1x3x224x224xf32>
    %swap3A = arith.constant 0 : index
    %swap3A_5 = arith.constant 0 : index
    %swap3A_6 = arith.constant 0 : index
    %swap3A_7 = arith.constant 0 : index
    %swap3A_8 = arith.constant 0 : index
    %swap3A_9 = vector.load %arg4[%swap3A, %swap3A_5, %swap3A_6, %swap3A_7, %swap3A_8] : memref<1x1x3x224x224xf32, #tpu.memory_space<vmem>>, vector<1x1x3x224x224xf32>
    tpu.vector_store %arg4[%swap3A, %swap3A_5, %swap3A_6, %swap3A_7, %swap3A_8], %get3A_4 {strides = array<i32>} : memref<1x1x3x224x224xf32, #tpu.memory_space<vmem>>, vector<1x1x3x224x224xf32>,
    return
  }
  func.func @transform_0(%arg0: i32, %arg1: i32, %arg2: memref<8x8xi32, #tpu.memory_space<smem>>) -> (i32, i32, i32, i32, i32) {
    %get3A = arith.index_cast %arg0 : i32 to index
    %get3A_0 = arith.index_cast %arg1 : i32 to index
    %get3A_1 = memref.load %arg2[%get3A, %get3A_0] : memref<8x8xi32, #tpu.memory_space<smem>>
    %c0_i32 = arith.constant 0 : i32
    %c0_i32_2 = arith.constant 0 : i32
    %c0_i32_3 = arith.constant 0 : i32
    %c0_i32_4 = arith.constant 0 : i32
    return %arg0, %get3A_1, %c0_i32, %c0_i32_2, %c0_i32_3 : i32, i32, i32, i32, i32
  }
  func.func @transform_1(%arg0: i32, %arg1: i32, %arg2: memref<8x8xi32, #tpu.memory_space<smem>>) -> (i32, i32, i32, i32, i32) {
    %c0_i32 = arith.constant 0 : i32
    %c0_i32_0 = arith.constant 0 : i32
    %c0_i32_1 = arith.constant 0 : i32
    %c0_i32_2 = arith.constant 0 : i32
    return %arg0, %arg1, %c0_i32, %c0_i32_0, %c0_i32_1 : i32, i32, i32, i32, i32
  }
}

</mosaic_0001>

<sc_bundles>
// kernel: kernel.4.cloned.1.call-start
scs
__scs_entry_jumppad:
0x0: {  	(pc) =	sbr.rel $0x88, $3  }
0x1: {  	(tag) =	ssettag $0x0;
	lr =	simm.s32 $0x1  }
0x2: {  	[smem:$0x3F9E] =	sst lr;
	_ =	strace $0xD0000000  }
0x3: {  	_ = 	snop  }
0x4: {  	_ = 	snop  }
0x5: {  	_ = 	snop  }
0x6: {  	_ = 	snop  }
0x7: {  	_ = 	snop  }
__scs_overlays_trampoline_lowered:
0x8: {  	[smem:$0x3FAD] =	sst s0  }
0x9: {  	[smem:$0x3FAE] =	sst s1  }
0xa: {  	[smem:$0x3FAF] =	sst s2  }
0xb: {  	[smem:$0x3FB0] =	sst s3  }
0xc: {  	[smem:$0x3FB1] =	sst s4  }
0xd: {  	[smem:$0x3FB2] =	sst s5  }
0xe: {  	[smem:$0x3FB3] =	sst s6  }
0xf: {  	[smem:$0x3FB4] =	sst s7  }
0x10: {  	[smem:$0x3FB5] =	sst s8  }
0x11: {  	[smem:$0x3FB6] =	sst s9;
	s0 =	simm.s32 @!p0 $0x0  }
0x12: {  	s1 =	sld [smem:$0x3F9C];
	s0 =	simm.s32 @p0 $0x1  }
0x13: {  	[smem:$0x3FB7] =	sst s0;
	s0 =	simm.s32 @!p1 $0x0  }
0x14: {  	s2 =	sld [smem:$0x3F9B];
	s0 =	simm.s32 @p1 $0x1  }
0x15: {  	[smem:$0x3FB8] =	sst s0;
	s0 =	simm.s32 @!p2 $0x0  }
0x16: {  	s3 =	sld [smem:$0x3FDB];
	s0 =	simm.s32 @p2 $0x1  }
0x17: {  	s4 =	simm.s32 $0x1BF5;
	[smem:$0x3FBA] =	sst s0  }
0x18: {  	s0 =	sld [smem:$0x3F9D];
	_ =	swait.ge [sflag:s4], $0x0  }
0x19: {  	s7 =	sld [smem:$0x3F9E]  }
0x1a: {  	s8 =	sadd.s32 $0xFFFFE003, lr  }
0x1b: {  	s9 =	sadd.s32 $0xFFFFFEF7, lr;
	s5 =	simm.s32 $0xFFFFFFFF;
	p2 =	slt.u32 s8, $0xFFFFF086  }
0x1c: {  	p1 =	slt.u32 s9, $0xF7A;
	s5 =	simm.s32 @!p2 $0x0  }
0x1d: {  	s5 =	simm.s32 @p1 $0x1;
	p0 =	seq.s32 s7, s2  }
0x1e: {  	s7 =	smul.u32 @!p0 $0xF7A, s2;
	p2 =	seq.s32 @!p0 s5, $0x0  }
0x1f: {  	s9 =	smul.u32 $0xF7A, s1;
	s8 =	simm.s32 @!p0 $0x1BF5;
	p2 =	por !p2, p0  }
0x20: {  	[sflag:s8] =	ssyncset.s32 @!p0 $0xFFFFF086;
	s6 =	sadd.s32 @!p0 s3, s7;
	s7 =	simm.s32 @!p0 $0x108  }
0x21: {  	s3 =	sadd.s32 s3, s9;
	s6 =	sadd.s32 @!p0 $0x88, s6;
	s7 =	simm.s32 @p2 $0x1082  }
0x22: {  	[simem:s7], [sflag:s8] =	dma.local @!p0 [hbm:s6], $0xF7A  }
0x23: {  	s9 =	sor.u32 $0xD0000000, s2;
	s6 =	simm.s32 $0x108;
	_ =	swait.ge @!p0 [sflag:s8], $0x0  }
0x24: {  	s3 =	sadd.s32 $0x88, s3;
	s6 =	simm.s32 @!p1 $0x1082;
	[sflag:s4] =	ssyncset.s32 $0xFFFFF086  }
0x25: {  	[simem:s6], [sflag:s4] =	dma.local [hbm:s3], $0xF7A  }
0x26: {  	[smem:$0x3F9E] =	sst s1;
	(tag) =	ssettag s2;
	_ =	strace s9  }
0x27: {  	s1 =	sld [smem:$0x3FAE]  }
0x28: {  	s2 =	sld [smem:$0x3FAF]  }
0x29: {  	s4 =	sld [smem:$0x3FB1]  }
0x2a: {  	p0 =	seq.s32 s5, $0x0;
	s5 =	sld [smem:$0x3FB2]  }
0x2b: {  	s6 =	sld [smem:$0x3FB3]  }
0x2c: {  	s7 =	sld [smem:$0x3FB4]  }
0x2d: {  	s3 =	simm.s32 $0x108;
	s8 =	sld [smem:$0x3FB5]  }
0x2e: {  	s3 =	simm.s32 @!p0 $0x1082;
	s9 =	sld [smem:$0x3FB6]  }
0x2f: {  	lr =	sadd.s32 s0, s3;
	s0 =	sld [smem:$0x3FAD]  }
0x30: {  	s3 =	sld [smem:$0x3FB0]  }
0x31: {  	[smem:$0x3FB9] =	sst s10  }
0x32: {  	s10 =	sld [smem:$0x3FB7];
	_ =	sdelay $0x3  }
0x33: {  	p0 =	seq.s32 s10, $0x1;
	s10 =	sld [smem:$0x3FB9];
	_ =	sdelay $0x3  }
0x34: {  	[smem:$0x3FB9] =	sst s10  }
0x35: {  	s10 =	sld [smem:$0x3FB8];
	_ =	sdelay $0x3  }
0x36: {  	p1 =	seq.s32 s10, $0x1;
	s10 =	sld [smem:$0x3FB9];
	_ =	sdelay $0x3  }
0x37: {  	[smem:$0x3FB9] =	sst s10  }
0x38: {  	s10 =	sld [smem:$0x3FBA]  }
0x39: {  	_ = 	snop;
	(pc) =	sbr.ind lr, $3  }
0x3a: {  	_ = 	snop  }
0x3b: {  	_ = 	snop  }
0x3c: {  	p2 =	seq.s32 s10, $0x1;
	s10 =	sld [smem:$0x3FB9]  }
0x3d: {  	_ =	shalt  }
0x3e: {  	_ =	shalt  }
0x3f: {  	_ =	shalt  }
0x40: {  	_ =	shalt  }
0x41: {  	_ =	shalt  }
0x42: {  	_ =	shalt  }
0x43: {  	_ =	shalt  }
0x44: {  	_ =	shalt  }
0x45: {  	_ =	shalt  }
0x46: {  	_ =	shalt  }
0x47: {  	_ =	shalt  }
0x48: {  	_ =	shalt  }
0x49: {  	_ =	shalt  }
0x4a: {  	_ =	shalt  }
0x4b: {  	_ =	shalt  }
0x4c: {  	_ =	shalt  }
0x4d: {  	_ =	shalt  }
0x4e: {  	_ =	shalt  }
0x4f: {  	_ =	shalt  }
0x50: {  	_ =	shalt  }
0x51: {  	_ =	shalt  }
0x52: {  	_ =	shalt  }
0x53: {  	_ =	shalt  }
0x54: {  	_ =	shalt  }
0x55: {  	_ =	shalt  }
0x56: {  	_ =	shalt  }
0x57: {  	_ =	shalt  }
0x58: {  	_ =	shalt  }
0x59: {  	_ =	shalt  }
0x5a: {  	_ =	shalt  }
0x5b: {  	_ =	shalt  }
0x5c: {  	_ =	shalt  }
0x5d: {  	_ =	shalt  }
0x5e: {  	_ =	shalt  }
0x5f: {  	_ =	shalt  }
0x60: {  	_ =	shalt  }
0x61: {  	_ =	shalt  }
0x62: {  	_ =	shalt  }
0x63: {  	_ =	shalt  }
0x64: {  	_ =	shalt  }
0x65: {  	_ =	shalt  }
0x66: {  	_ =	shalt  }
0x67: {  	_ =	shalt  }
0x68: {  	_ =	shalt  }
0x69: {  	_ =	shalt  }
0x6a: {  	_ =	shalt  }
0x6b: {  	_ =	shalt  }
0x6c: {  	_ =	shalt  }
0x6d: {  	_ =	shalt  }
0x6e: {  	_ =	shalt  }
0x6f: {  	_ =	shalt  }
0x70: {  	_ =	shalt  }
0x71: {  	_ =	shalt  }
0x72: {  	_ =	shalt  }
0x73: {  	_ =	shalt  }
0x74: {  	_ =	shalt  }
0x75: {  	_ =	shalt  }
0x76: {  	_ =	shalt  }
0x77: {  	_ =	shalt  }
0x78: {  	_ =	shalt  }
0x79: {  	_ =	shalt  }
0x7a: {  	_ =	shalt  }
0x7b: {  	_ =	shalt  }
0x7c: {  	_ =	shalt  }
0x7d: {  	_ =	shalt  }
0x7e: {  	_ =	shalt  }
0x7f: {  	_ =	shalt  }
0x80: {  	_ =	shalt  }
0x81: {  	_ =	shalt  }
0x82: {  	_ =	shalt  }
0x83: {  	_ =	shalt  }
0x84: {  	_ =	shalt  }
0x85: {  	_ =	shalt  }
0x86: {  	_ =	shalt  }
0x87: {  	_ =	shalt  }
.Lfunc_end0:
.L_simem_size_0:
called_computation_lowered:
.L_overlay_start_0:
0x88: {  	s2 =	sld [smem:$0x3FD9]  }
0x89: {  	s3 =	sld [smem:$0x3FFE];
	_ =	sdelay $0x1  }
0x8a: {  	s1 =	srdreg.scid  }
0x8b: {  	s0 =	sand.u32 $0x1, s1  }
0x8c: {  	s14 =	sshll.u32 s0, $0xA;
	s2 =	sadd.s32 s3, s2  }
0x8d: {  	s2 =	sadd.s32 s2, s14  }
0x8e: {  	[smem:$0x3FC5] =	sst s2  }
0x8f: {  	_ = 	snop  }
0x90: {  	s2 =	sld [smem:$0x3FD0];
	_ =	sdelay $0x2  }
0x91: {  	s4 =	simm.s32 $0xA;
	s5 =	simm.s32 $0x10;
	s15 =	sld [smem:$0x3FC9]  }
0x92: {  	[smem:s5], [sflag:s4] =	dma.local [hbm:s2], $0x1  }
0x93: {  	_ =	swait.eq [sflag:s4], $0x1  }
0x94: {  	[sflag:s4] =	ssyncset.done $0x0  }
0x95: {  	[sflag:s4] =	ssyncadd.s32 $0xFFFFFFFF  }
0x96: {  	s16 =	sld [smem:$0x10];
	(tm) =	ssettm $0x1  }
0x97: {  	s17 =	sld [smem:$0x3FFB];
	_ =	sdelay $0x3  }
0x98: {  	_ =	strace s17  }
0x99: {  	s4 =	sld [smem:$0x3FFC];
	_ =	sdelay $0x3  }
0x9a: {  	_ =	strace s4  }
0x9b: {  	s4 =	sld [smem:$0x3FFD];
	_ =	sdelay $0x3  }
0x9c: {  	_ =	strace s4  }
0x9d: {  	_ =	strace $0x8FFFFFFF  }
0x9e: {  	s18 =	sld [smem:$0x3FDB];
	_ =	sdelay $0x1  }
0x9f: {  	s19 =	simm.s32 $_scs_section_size  }
0xa0: {  	s6 =	simm.s32 $_size__tile_overlayer_lowered;
	s7 =	simm.s32 $_tile_overlayer_lowered  }
0xa1: {  	s22 =	simm.s32 $0x1BFF;
	s21 =	sshll.u32 s7, $0x1;
	s4 =	sadd.s32 s19, s18  }
0xa2: {  	s8 =	simm.s32 $0x0;
	s20 =	sshll.u32 s6, $0x1;
	s6 =	sadd.s32 s21, s4  }
0xa3: {  	[timem:s8], [sflag:s22] =	dma.local [hbm:s6], s20  }
0xa4: {  	_ =	swait.ge [sflag:s22], s20  }
0xa5: {  	s5 =	ssub.s32 $0x0, s20;
	[sflag:s22] =	ssyncset.done $0x0  }
0xa6: {  	[sflag:s22] =	ssyncadd.s32 s5;
	_ =	sdelay $0x1  }
0xa7: {  	s23 =	simm.s32 $0x1B8B  }
0xa8: {  	_ =	swait.ge [sflag:s23], $0x1  }
0xa9: {  	[sflag:s23] =	ssyncset.done $0x0  }
0xaa: {  	s25 =	simm.s32 $0x1B8E;
	s24 =	sld [smem:$0x3FFE];
	[sflag:s23] =	ssyncadd.s32 $0xFFFFFFFF  }
0xab: {  	s26 =	simm.s32 $execute0_lowered;
	[smem:$0x3FD2] =	sst s25  }
0xac: {  	s6 =	sshll.u32 s26, $0x1;
	_ =	strace $0x80000046;
	[dreg:$0x1] =	wrdreg $0xFFFFFFFF  }
0xad: {  	s28 =	simm.s32 $_size_execute0_lowered;
	s4 =	sadd.s32 s4, s6;
	[dreg:$0x0] =	wrdreg $0x0  }
0xae: {  	s6 =	sshll.u32 s28, $0x1;
	[dreg:$0x2] =	wrdreg s4  }
0xaf: {  	[dreg:$0x3] =	wrdreg s6  }
0xb0: {  	[dreg:$0x4] =	wrdreg $0xC0  }
0xb1: {  	_ =	task [dreg:s8], $0x5FFFF  }
0xb2: {  	[dreg:$0x1] =	wrdreg $0xFFFFFFFF  }
0xb3: {  	[dreg:$0x0] =	wrdreg $0x60  }
0xb4: {  	[dreg:$0x2] =	wrdreg s15  }
0xb5: {  	[dreg:$0x3] =	wrdreg s24  }
0xb6: {  	[dreg:$0x4] =	wrdreg s16  }
0xb7: {  	[dreg:$0x5] =	wrdreg $0x9  }
0xb8: {  	_ =	task.clear_ibuf [dreg:s8], $0x6FFFF;
	_ =	strace $0x90000046  }
0xb9: {  	s29 =	simm.s32 $0x9;
	_ =	strace $0x80000048  }
0xba: {  	_ =	swait.ge [sflag:s29], $0x1  }
0xbb: {  	[sflag:s29] =	ssyncadd.s32 $0xFFFFFFFF  }
0xbc: {  	_ =	strace $0x90000048  }
0xbd: {  	_ =	sfence  }
0xbe: {  	s30 =	sld [smem:$0x0];
	_ =	sdelay $0x2  }
0xbf: {  	s31 =	sshll.u32 s1, $0xD;
	s1 =	sshrl.u32 s1, $0x2  }
0xc0: {  	s3 =	sand.u32 $0x4000, s31;
	s1 =	sadd.s32 s1, s30  }
0xc1: {  	s0 =	sor.u32 s3, s0;
	s1 =	sshll.u32 s1, $0x11  }
0xc2: {  	s0 =	sor.u32 s1, s0  }
0xc3: {  	s0 =	sadd.s32 $0x8F2B, s0  }
0xc4: {  	[sflag:s0] =	ssyncadd.remote.s32 $0x1  }
0xc5: {  	_ =	sfence.sel $0xFFFF  }
0xc6: {  	[dreg:$0x0] =	wrdreg $0xFFFFFFFF;
	(pc) =	sbr.abs _section_cstart, $3  }
0xc7: {  	[dreg:$0x1] =	wrdreg $0xFFFFFFFF  }
0xc8: {  	_ =	task.clear_ibuf [dreg:s8], $0x2FFFF;
	_ =	strace $0x9FFFFFFF  }
0xc9: {  	(tm) =	ssettm $0x7FFFFFFF  }
tec
execute0_lowered:
.L_overlay_start_1:
0x0: {  	(tag) =	ssettag $0x1  }
0x1: {  	s0 =	rddreg [dreg:$0x0]  }
0x2: {  	s3 =	rddreg [dreg:$0x1]  }
0x3: {  	s4 =	rddreg [dreg:$0x2];
	s2 =	simm.s32 $0x0;
	s5 =	srdreg.scid  }
0x4: {  	s1 =	stileid.u32;
	s20 =	simm.s32 $0x5;
	s10 =	simm.s32 $0x1  }
0x5: {  	s9 =	simm.s32 $0x2;
	p0 =	por $0x0, $0x0;
	[dreg:$0x4] =	wrdreg s0  }
0x6: {  	[smem:$0x7FF] =	sst s2;
	s5 =	sand.u32 $0x1, s5;
	s6 =	sshll.u32 s1, $0x1  }
0x7: {  	s0 =	rddreg [dreg:$0x3];
	_ =	strace $0x80000047;
	s6 =	sor.u32 s5, s6  }
0x8: {  	s5 =	ssub.s32 $0x2, s5;
	s7 =	sshll.u32 s6, $0x4;
	s8 =	smul.u32 $0xA8000, s6  }
0x9: {  	s29 =	sshrl.u32 s5, $0x1;
	s6 =	smul.u32 $0x15000, s6;
	s3 =	sadd.s32 s7, s3  }
0xa: {  	s7 =	ssub.s32 s5, s29;
	s3 =	sadd.s32 $0x800, s3;
	s30 =	sshrl.u32 s8, $0x3  }
0xb: {  	s31 =	sadd.s32 s4, s6;
	s21 =	smax.u32 s7, $0x1;
	s8 =	simm.s32 $0x80  }
0xc: {  	s7 =	simm.s32 $0xE080;
	s6 =	simm.s32 $0x3;
	[dreg:$0x5] =	wrdreg s3  }
0xd: {  	s4 =	sadd.s32 s4, s30;
	[dreg:$0x6] =	wrdreg s31;
	p1 =	sne.s32 s21, $0x1  }
.Ltmp0:
0xe: {  	s21 =	sadd.s32 $0xFFFFFFFF, s21;
	s19 =	sadd.s32 $0x1C00, s4;
	(pc) =	sbr.rel @!p1 .LBB2_3-.Ltmp0, $4  }
0xf: {  	s18 =	sadd.s32 $0x3800, s4;
	s17 =	sadd.s32 $0x5400, s4;
	s16 =	sadd.s32 $0x7000, s4  }
0x10: {  	s15 =	sadd.s32 $0x8C00, s4;
	s14 =	sadd.s32 $0xA800, s4;
	s13 =	sadd.s32 $0xC400, s4  }
0x11: {  	s12 =	sadd.s32 $0xE000, s4;
	s11 =	sadd.s32 $0xFC00, s4;
	s5 =	sadd.s32 $0x11800, s4  }
0x12: {  	s3 =	sadd.s32 $0x13400, s4;
	s4 =	simm.s32 $0x4;
	s22 =	rddreg [dreg:$0x5]  }
0x13: {  	[tilespmem:s2], [sflag:$0x5] =	stream.linear.gather [hbm4b:s22+s2], $0x80, $0x38;
	[tilespmem:$0x1C080] =	vst v63  }
0x14: {  	_ =	swait.ge [sflag:s20], $0x80  }
0x15: {  	[sflag:s20] =	ssyncset.done $0x0  }
0x16: {  	[sflag:s20] =	ssyncadd.s32 $0xFFFFFF80  }
0x17: {  	v0 =	vld [tilespmem:$0x0];
	_ =	sdelay $0x4  }
0x18: {  	v0 =	vmul.u32 $0xE000, v0;
	_ =	sdelay $0x1  }
0x19: {  	s25 =	rddreg [dreg:$0x4];
	v0 =	vshrl.u32 v0, $0x3  }
0x1a: {  	v0 =	vadd.s32 s25, v0  }
0x1b: {  	(v2sf) =	vpush v0, $0x0;
	_ =	sdelay $0x1  }
0x1c: {  	(v2sf) =	vpush v0, $0x1;
	_ =	sdelay $0x9  }
0x1d: {  	(v2sf) =	vpush v0, $0x2;
	_ =	sdelay $0x2  }
0x1e: {  	s26 =	spop (v2sf)  }
0x1f: {  	[tilespmem:s8], [sflag:$0x1] =	stream.linear.gather [hbm4b:s26+s2], $0xE000, $0x38;
	[tilespmem:$0x1C080] =	vst v63  }
0x20: {  	s28 =	spop (v2sf)  }
0x21: {  	[tilespmem:s7], [sflag:$0x2] =	stream.linear.gather [hbm4b:s28+s2], $0xE000, $0x38;
	[tilespmem:$0x1C080] =	vst v63  }
0x22: {  	_ =	swait.ge [sflag:s10], $0xE000  }
0x23: {  	(v2sf) =	vpush v0, $0x3;
	_ =	sdelay $0x1  }
0x24: {  	[sflag:s10] =	ssyncset.done $0x0  }
0x25: {  	s29 =	rddreg [dreg:$0x6];
	[sflag:s10] =	ssyncadd.s32 $0xFFFF2000  }
0x26: {  	[hbm4b:s29+s2] =	stream.linear.scatter [tilespmem:s8], [sflag:$0x3], $0xE000, $0x38;
	[tilespmem:$0x1C080] =	vst v63  }
0x27: {  	_ =	swait.ge [sflag:s6], $0xE000  }
0x28: {  	[sflag:s6] =	ssyncset.done $0x0  }
0x29: {  	s30 =	spop (v2sf);
	[sflag:s6] =	ssyncadd.s32 $0xFFFF2000  }
0x2a: {  	(v2sf) =	vpush v0, $0x4;
	[tilespmem:s8], [sflag:$0x1] =	stream.linear.gather [hbm4b:s30+s2], $0xE000, $0x38;
	[tilespmem:$0x1C080] =	vst v63  }
0x2b: {  	_ =	swait.ge [sflag:s9], $0xE000  }
0x2c: {  	[sflag:s9] =	ssyncset.done $0x0  }
0x2d: {  	[sflag:s9] =	ssyncadd.s32 $0xFFFF2000  }
0x2e: {  	[hbm4b:s19+s2] =	stream.linear.scatter [tilespmem:s7], [sflag:$0x4], $0xE000, $0x38;
	[tilespmem:$0x1C080] =	vst v63  }
0x2f: {  	_ =	swait.ge [sflag:s4], $0xE000  }
0x30: {  	[sflag:s4] =	ssyncset.done $0x0  }
0x31: {  	[sflag:s4] =	ssyncadd.s32 $0xFFFF2000;
	s31 =	spop (v2sf)  }
0x32: {  	(v2sf) =	vpush v0, $0x5;
	[tilespmem:s7], [sflag:$0x2] =	stream.linear.gather [hbm4b:s31+s2], $0xE000, $0x38;
	[tilespmem:$0x1C080] =	vst v63  }
0x33: {  	_ =	swait.ge [sflag:s10], $0xE000  }
0x34: {  	[sflag:s10] =	ssyncset.done $0x0  }
0x35: {  	[sflag:s10] =	ssyncadd.s32 $0xFFFF2000  }
0x36: {  	[hbm4b:s18+s2] =	stream.linear.scatter [tilespmem:s8], [sflag:$0x3], $0xE000, $0x38;
	[tilespmem:$0x1C080] =	vst v63  }
0x37: {  	_ =	swait.ge [sflag:s6], $0xE000  }
0x38: {  	[sflag:s6] =	ssyncset.done $0x0  }
0x39: {  	s23 =	spop (v2sf);
	[sflag:s6] =	ssyncadd.s32 $0xFFFF2000  }
0x3a: {  	(v2sf) =	vpush v0, $0x6;
	[tilespmem:s8], [sflag:$0x1] =	stream.linear.gather [hbm4b:s23+s2], $0xE000, $0x38;
	[tilespmem:$0x1C080] =	vst v63  }
0x3b: {  	_ =	swait.ge [sflag:s9], $0xE000  }
0x3c: {  	[sflag:s9] =	ssyncset.done $0x0  }
0x3d: {  	[sflag:s9] =	ssyncadd.s32 $0xFFFF2000  }
0x3e: {  	[hbm4b:s17+s2] =	stream.linear.scatter [tilespmem:s7], [sflag:$0x4], $0xE000, $0x38;
	[tilespmem:$0x1C080] =	vst v63  }
0x3f: {  	_ =	swait.ge [sflag:s4], $0xE000  }
0x40: {  	[sflag:s4] =	ssyncset.done $0x0  }
0x41: {  	s24 =	spop (v2sf);
	[sflag:s4] =	ssyncadd.s32 $0xFFFF2000  }
0x42: {  	(v2sf) =	vpush v0, $0x7;
	[tilespmem:s7], [sflag:$0x2] =	stream.linear.gather [hbm4b:s24+s2], $0xE000, $0x38;
	[tilespmem:$0x1C080] =	vst v63  }
0x43: {  	_ =	swait.ge [sflag:s10], $0xE000  }
0x44: {  	[sflag:s10] =	ssyncset.done $0x0  }
0x45: {  	[sflag:s10] =	ssyncadd.s32 $0xFFFF2000  }
0x46: {  	[hbm4b:s16+s2] =	stream.linear.scatter [tilespmem:s8], [sflag:$0x3], $0xE000, $0x38;
	[tilespmem:$0x1C080] =	vst v63  }
0x47: {  	_ =	swait.ge [sflag:s6], $0xE000  }
0x48: {  	[sflag:s6] =	ssyncset.done $0x0  }
0x49: {  	s25 =	spop (v2sf);
	[sflag:s6] =	ssyncadd.s32 $0xFFFF2000  }
0x4a: {  	(v2sf) =	vpush v0, $0x8;
	[tilespmem:s8], [sflag:$0x1] =	stream.linear.gather [hbm4b:s25+s2], $0xE000, $0x38;
	[tilespmem:$0x1C080] =	vst v63  }
0x4b: {  	_ =	swait.ge [sflag:s9], $0xE000  }
0x4c: {  	[sflag:s9] =	ssyncset.done $0x0  }
0x4d: {  	[sflag:s9] =	ssyncadd.s32 $0xFFFF2000  }
0x4e: {  	[hbm4b:s15+s2] =	stream.linear.scatter [tilespmem:s7], [sflag:$0x4], $0xE000, $0x38;
	[tilespmem:$0x1C080] =	vst v63  }
0x4f: {  	_ =	swait.ge [sflag:s4], $0xE000  }
0x50: {  	[sflag:s4] =	ssyncset.done $0x0  }
0x51: {  	s26 =	spop (v2sf);
	[sflag:s4] =	ssyncadd.s32 $0xFFFF2000  }
0x52: {  	(v2sf) =	vpush v0, $0x9;
	[tilespmem:s7], [sflag:$0x2] =	stream.linear.gather [hbm4b:s26+s2], $0xE000, $0x38;
	[tilespmem:$0x1C080] =	vst v63  }
0x53: {  	_ =	swait.ge [sflag:s10], $0xE000  }
0x54: {  	[sflag:s10] =	ssyncset.done $0x0  }
0x55: {  	[sflag:s10] =	ssyncadd.s32 $0xFFFF2000  }
0x56: {  	[hbm4b:s14+s2] =	stream.linear.scatter [tilespmem:s8], [sflag:$0x3], $0xE000, $0x38;
	[tilespmem:$0x1C080] =	vst v63  }
0x57: {  	_ =	swait.ge [sflag:s6], $0xE000  }
0x58: {  	[sflag:s6] =	ssyncset.done $0x0  }
0x59: {  	s28 =	spop (v2sf);
	[sflag:s6] =	ssyncadd.s32 $0xFFFF2000  }
0x5a: {  	(v2sf) =	vpush v0, $0xA;
	[tilespmem:s8], [sflag:$0x1] =	stream.linear.gather [hbm4b:s28+s2], $0xE000, $0x38;
	[tilespmem:$0x1C080] =	vst v63  }
0x5b: {  	_ =	swait.ge [sflag:s9], $0xE000  }
0x5c: {  	[sflag:s9] =	ssyncset.done $0x0  }
0x5d: {  	[sflag:s9] =	ssyncadd.s32 $0xFFFF2000  }
0x5e: {  	[hbm4b:s13+s2] =	stream.linear.scatter [tilespmem:s7], [sflag:$0x4], $0xE000, $0x38;
	[tilespmem:$0x1C080] =	vst v63  }
0x5f: {  	_ =	swait.ge [sflag:s4], $0xE000  }
0x60: {  	[sflag:s4] =	ssyncset.done $0x0  }
0x61: {  	s29 =	spop (v2sf);
	[sflag:s4] =	ssyncadd.s32 $0xFFFF2000  }
0x62: {  	(v2sf) =	vpush v0, $0xB;
	[tilespmem:s7], [sflag:$0x2] =	stream.linear.gather [hbm4b:s29+s2], $0xE000, $0x38;
	[tilespmem:$0x1C080] =	vst v63  }
0x63: {  	_ =	swait.ge [sflag:s10], $0xE000  }
0x64: {  	[sflag:s10] =	ssyncset.done $0x0  }
0x65: {  	[sflag:s10] =	ssyncadd.s32 $0xFFFF2000  }
0x66: {  	[hbm4b:s12+s2] =	stream.linear.scatter [tilespmem:s8], [sflag:$0x3], $0xE000, $0x38;
	[tilespmem:$0x1C080] =	vst v63  }
0x67: {  	_ =	swait.ge [sflag:s6], $0xE000  }
0x68: {  	[sflag:s6] =	ssyncset.done $0x0  }
0x69: {  	s30 =	spop (v2sf);
	[sflag:s6] =	ssyncadd.s32 $0xFFFF2000  }
0x6a: {  	[tilespmem:s8], [sflag:$0x1] =	stream.linear.gather [hbm4b:s30+s2], $0xE000, $0x38;
	[tilespmem:$0x1C080] =	vst v63  }
0x6b: {  	_ =	swait.ge [sflag:s9], $0xE000  }
0x6c: {  	[sflag:s9] =	ssyncset.done $0x0  }
0x6d: {  	[sflag:s9] =	ssyncadd.s32 $0xFFFF2000  }
0x6e: {  	[hbm4b:s11+s2] =	stream.linear.scatter [tilespmem:s7], [sflag:$0x4], $0xE000, $0x38;
	[tilespmem:$0x1C080] =	vst v63  }
0x6f: {  	_ =	swait.ge [sflag:s4], $0xE000  }
0x70: {  	[sflag:s4] =	ssyncset.done $0x0  }
0x71: {  	s31 =	spop (v2sf);
	[sflag:s4] =	ssyncadd.s32 $0xFFFF2000  }
0x72: {  	[tilespmem:s7], [sflag:$0x2] =	stream.linear.gather [hbm4b:s31+s2], $0xE000, $0x38;
	[tilespmem:$0x1C080] =	vst v63  }
0x73: {  	_ =	swait.ge [sflag:s10], $0xE000  }
0x74: {  	[sflag:s10] =	ssyncset.done $0x0  }
0x75: {  	[sflag:s10] =	ssyncadd.s32 $0xFFFF2000  }
0x76: {  	[hbm4b:s5+s2] =	stream.linear.scatter [tilespmem:s8], [sflag:$0x3], $0xE000, $0x38;
	[tilespmem:$0x1C080] =	vst v63  }
0x77: {  	_ =	swait.ge [sflag:s9], $0xE000  }
0x78: {  	[sflag:s9] =	ssyncset.done $0x0  }
0x79: {  	p1 =	sne.s32 s21, $0x1;
	[sflag:s9] =	ssyncadd.s32 $0xFFFF2000  }
0x7a: {  	[hbm4b:s3+s2] =	stream.linear.scatter [tilespmem:s7], [sflag:$0x4], $0xE000, $0x38;
	[tilespmem:$0x1C080] =	vst v63  }
.Ltmp1:
0x7b: {  	_ =	swait.ge [sflag:s6], $0xE000;
	(pc) =	sbr.rel @!p1 .LBB2_3-.Ltmp1, $4  }
0x7c: {  	[sflag:s6] =	ssyncset.done $0x0  }
0x7d: {  	[sflag:s6] =	ssyncadd.s32 $0xFFFF2000  }
0x7e: {  	s21 =	sadd.s32 $0xFFFFFFFF, s21;
	_ =	swait.ge [sflag:s4], $0xE000  }
0x7f: {  	p0 =	por $0x1, $0x1;
	s22 =	rddreg [dreg:$0x5];
	[sflag:s4] =	ssyncset.done $0x0  }
.LBB2_2:
0x80: {  	[sflag:s4] =	ssyncadd.s32 $0xFFFF2000  }
0x81: {  	[tilespmem:s2], [sflag:$0x5] =	stream.linear.gather [hbm4b:s22+s2], $0x80, $0x38;
	[tilespmem:$0x1C080] =	vst v63  }
0x82: {  	_ =	swait.ge [sflag:s20], $0x80  }
0x83: {  	[sflag:s20] =	ssyncset.done $0x0  }
0x84: {  	[sflag:s20] =	ssyncadd.s32 $0xFFFFFF80  }
0x85: {  	v0 =	vld [tilespmem:$0x0];
	_ =	sdelay $0x4  }
0x86: {  	v0 =	vmul.u32 $0xE000, v0;
	_ =	sdelay $0x1  }
0x87: {  	s25 =	rddreg [dreg:$0x4];
	v0 =	vshrl.u32 v0, $0x3  }
0x88: {  	v0 =	vadd.s32 s25, v0  }
0x89: {  	(v2sf) =	vpush v0, $0x0;
	_ =	sdelay $0x1  }
0x8a: {  	(v2sf) =	vpush v0, $0x1;
	_ =	sdelay $0x9  }
0x8b: {  	(v2sf) =	vpush v0, $0x2;
	_ =	sdelay $0x2  }
0x8c: {  	s26 =	spop (v2sf)  }
0x8d: {  	[tilespmem:s8], [sflag:$0x1] =	stream.linear.gather [hbm4b:s26+s2], $0xE000, $0x38;
	[tilespmem:$0x1C080] =	vst v63  }
0x8e: {  	s28 =	spop (v2sf)  }
0x8f: {  	[tilespmem:s7], [sflag:$0x2] =	stream.linear.gather [hbm4b:s28+s2], $0xE000, $0x38;
	[tilespmem:$0x1C080] =	vst v63  }
0x90: {  	_ =	swait.ge [sflag:s10], $0xE000  }
0x91: {  	(v2sf) =	vpush v0, $0x3;
	_ =	sdelay $0x1  }
0x92: {  	[sflag:s10] =	ssyncset.done $0x0  }
0x93: {  	s29 =	rddreg [dreg:$0x6];
	[sflag:s10] =	ssyncadd.s32 $0xFFFF2000  }
0x94: {  	[hbm4b:s29+s2] =	stream.linear.scatter [tilespmem:s8], [sflag:$0x3], $0xE000, $0x38;
	[tilespmem:$0x1C080] =	vst v63  }
0x95: {  	_ =	swait.ge [sflag:s6], $0xE000  }
0x96: {  	[sflag:s6] =	ssyncset.done $0x0  }
0x97: {  	s30 =	spop (v2sf);
	[sflag:s6] =	ssyncadd.s32 $0xFFFF2000  }
0x98: {  	(v2sf) =	vpush v0, $0x4;
	[tilespmem:s8], [sflag:$0x1] =	stream.linear.gather [hbm4b:s30+s2], $0xE000, $0x38;
	[tilespmem:$0x1C080] =	vst v63  }
0x99: {  	_ =	swait.ge [sflag:s9], $0xE000  }
0x9a: {  	[sflag:s9] =	ssyncset.done $0x0  }
0x9b: {  	[sflag:s9] =	ssyncadd.s32 $0xFFFF2000  }
0x9c: {  	[hbm4b:s19+s2] =	stream.linear.scatter [tilespmem:s7], [sflag:$0x4], $0xE000, $0x38;
	[tilespmem:$0x1C080] =	vst v63  }
0x9d: {  	_ =	swait.ge [sflag:s4], $0xE000  }
0x9e: {  	[sflag:s4] =	ssyncset.done $0x0  }
0x9f: {  	[sflag:s4] =	ssyncadd.s32 $0xFFFF2000;
	s31 =	spop (v2sf)  }
0xa0: {  	(v2sf) =	vpush v0, $0x5;
	[tilespmem:s7], [sflag:$0x2] =	stream.linear.gather [hbm4b:s31+s2], $0xE000, $0x38;
	[tilespmem:$0x1C080] =	vst v63  }
0xa1: {  	_ =	swait.ge [sflag:s10], $0xE000  }
0xa2: {  	[sflag:s10] =	ssyncset.done $0x0  }
0xa3: {  	[sflag:s10] =	ssyncadd.s32 $0xFFFF2000  }
0xa4: {  	[hbm4b:s18+s2] =	stream.linear.scatter [tilespmem:s8], [sflag:$0x3], $0xE000, $0x38;
	[tilespmem:$0x1C080] =	vst v63  }
0xa5: {  	_ =	swait.ge [sflag:s6], $0xE000  }
0xa6: {  	[sflag:s6] =	ssyncset.done $0x0  }
0xa7: {  	s23 =	spop (v2sf);
	[sflag:s6] =	ssyncadd.s32 $0xFFFF2000  }
0xa8: {  	(v2sf) =	vpush v0, $0x6;
	[tilespmem:s8], [sflag:$0x1] =	stream.linear.gather [hbm4b:s23+s2], $0xE000, $0x38;
	[tilespmem:$0x1C080] =	vst v63  }
0xa9: {  	_ =	swait.ge [sflag:s9], $0xE000  }
0xaa: {  	[sflag:s9] =	ssyncset.done $0x0  }
0xab: {  	[sflag:s9] =	ssyncadd.s32 $0xFFFF2000  }
0xac: {  	[hbm4b:s17+s2] =	stream.linear.scatter [tilespmem:s7], [sflag:$0x4], $0xE000, $0x38;
	[tilespmem:$0x1C080] =	vst v63  }
0xad: {  	_ =	swait.ge [sflag:s4], $0xE000  }
0xae: {  	[sflag:s4] =	ssyncset.done $0x0  }
0xaf: {  	s24 =	spop (v2sf);
	[sflag:s4] =	ssyncadd.s32 $0xFFFF2000  }
0xb0: {  	(v2sf) =	vpush v0, $0x7;
	[tilespmem:s7], [sflag:$0x2] =	stream.linear.gather [hbm4b:s24+s2], $0xE000, $0x38;
	[tilespmem:$0x1C080] =	vst v63  }
0xb1: {  	_ =	swait.ge [sflag:s10], $0xE000  }
0xb2: {  	[sflag:s10] =	ssyncset.done $0x0  }
0xb3: {  	[sflag:s10] =	ssyncadd.s32 $0xFFFF2000  }
0xb4: {  	[hbm4b:s16+s2] =	stream.linear.scatter [tilespmem:s8], [sflag:$0x3], $0xE000, $0x38;
	[tilespmem:$0x1C080] =	vst v63  }
0xb5: {  	_ =	swait.ge [sflag:s6], $0xE000  }
0xb6: {  	[sflag:s6] =	ssyncset.done $0x0  }
0xb7: {  	s25 =	spop (v2sf);
	[sflag:s6] =	ssyncadd.s32 $0xFFFF2000  }
0xb8: {  	(v2sf) =	vpush v0, $0x8;
	[tilespmem:s8], [sflag:$0x1] =	stream.linear.gather [hbm4b:s25+s2], $0xE000, $0x38;
	[tilespmem:$0x1C080] =	vst v63  }
0xb9: {  	_ =	swait.ge [sflag:s9], $0xE000  }
0xba: {  	[sflag:s9] =	ssyncset.done $0x0  }
0xbb: {  	[sflag:s9] =	ssyncadd.s32 $0xFFFF2000  }
0xbc: {  	[hbm4b:s15+s2] =	stream.linear.scatter [tilespmem:s7], [sflag:$0x4], $0xE000, $0x38;
	[tilespmem:$0x1C080] =	vst v63  }
0xbd: {  	_ =	swait.ge [sflag:s4], $0xE000  }
0xbe: {  	[sflag:s4] =	ssyncset.done $0x0  }
0xbf: {  	s26 =	spop (v2sf);
	[sflag:s4] =	ssyncadd.s32 $0xFFFF2000  }
0xc0: {  	(v2sf) =	vpush v0, $0x9;
	[tilespmem:s7], [sflag:$0x2] =	stream.linear.gather [hbm4b:s26+s2], $0xE000, $0x38;
	[tilespmem:$0x1C080] =	vst v63  }
0xc1: {  	_ =	swait.ge [sflag:s10], $0xE000  }
0xc2: {  	[sflag:s10] =	ssyncset.done $0x0  }
0xc3: {  	[sflag:s10] =	ssyncadd.s32 $0xFFFF2000  }
0xc4: {  	[hbm4b:s14+s2] =	stream.linear.scatter [tilespmem:s8], [sflag:$0x3], $0xE000, $0x38;
	[tilespmem:$0x1C080] =	vst v63  }
0xc5: {  	_ =	swait.ge [sflag:s6], $0xE000  }
0xc6: {  	[sflag:s6] =	ssyncset.done $0x0  }
0xc7: {  	s28 =	spop (v2sf);
	[sflag:s6] =	ssyncadd.s32 $0xFFFF2000  }
0xc8: {  	(v2sf) =	vpush v0, $0xA;
	[tilespmem:s8], [sflag:$0x1] =	stream.linear.gather [hbm4b:s28+s2], $0xE000, $0x38;
	[tilespmem:$0x1C080] =	vst v63  }
0xc9: {  	_ =	swait.ge [sflag:s9], $0xE000  }
0xca: {  	[sflag:s9] =	ssyncset.done $0x0  }
0xcb: {  	[sflag:s9] =	ssyncadd.s32 $0xFFFF2000  }
0xcc: {  	[hbm4b:s13+s2] =	stream.linear.scatter [tilespmem:s7], [sflag:$0x4], $0xE000, $0x38;
	[tilespmem:$0x1C080] =	vst v63  }
0xcd: {  	_ =	swait.ge [sflag:s4], $0xE000  }
0xce: {  	[sflag:s4] =	ssyncset.done $0x0  }
0xcf: {  	s29 =	spop (v2sf);
	[sflag:s4] =	ssyncadd.s32 $0xFFFF2000  }
0xd0: {  	(v2sf) =	vpush v0, $0xB;
	[tilespmem:s7], [sflag:$0x2] =	stream.linear.gather [hbm4b:s29+s2], $0xE000, $0x38;
	[tilespmem:$0x1C080] =	vst v63  }
0xd1: {  	_ =	swait.ge [sflag:s10], $0xE000  }
0xd2: {  	[sflag:s10] =	ssyncset.done $0x0  }
0xd3: {  	[sflag:s10] =	ssyncadd.s32 $0xFFFF2000  }
0xd4: {  	[hbm4b:s12+s2] =	stream.linear.scatter [tilespmem:s8], [sflag:$0x3], $0xE000, $0x38;
	[tilespmem:$0x1C080] =	vst v63  }
0xd5: {  	_ =	swait.ge [sflag:s6], $0xE000  }
0xd6: {  	[sflag:s6] =	ssyncset.done $0x0  }
0xd7: {  	s30 =	spop (v2sf);
	[sflag:s6] =	ssyncadd.s32 $0xFFFF2000  }
0xd8: {  	[tilespmem:s8], [sflag:$0x1] =	stream.linear.gather [hbm4b:s30+s2], $0xE000, $0x38;
	[tilespmem:$0x1C080] =	vst v63  }
0xd9: {  	_ =	swait.ge [sflag:s9], $0xE000  }
0xda: {  	[sflag:s9] =	ssyncset.done $0x0  }
0xdb: {  	[sflag:s9] =	ssyncadd.s32 $0xFFFF2000  }
0xdc: {  	[hbm4b:s11+s2] =	stream.linear.scatter [tilespmem:s7], [sflag:$0x4], $0xE000, $0x38;
	[tilespmem:$0x1C080] =	vst v63  }
0xdd: {  	_ =	swait.ge [sflag:s4], $0xE000  }
0xde: {  	[sflag:s4] =	ssyncset.done $0x0  }
0xdf: {  	s31 =	spop (v2sf);
	[sflag:s4] =	ssyncadd.s32 $0xFFFF2000  }
0xe0: {  	[tilespmem:s7], [sflag:$0x2] =	stream.linear.gather [hbm4b:s31+s2], $0xE000, $0x38;
	[tilespmem:$0x1C080] =	vst v63  }
0xe1: {  	_ =	swait.ge [sflag:s10], $0xE000  }
0xe2: {  	[sflag:s10] =	ssyncset.done $0x0  }
0xe3: {  	[sflag:s10] =	ssyncadd.s32 $0xFFFF2000  }
0xe4: {  	[hbm4b:s5+s2] =	stream.linear.scatter [tilespmem:s8], [sflag:$0x3], $0xE000, $0x38;
	[tilespmem:$0x1C080] =	vst v63  }
0xe5: {  	_ =	swait.ge [sflag:s9], $0xE000  }
0xe6: {  	[sflag:s9] =	ssyncset.done $0x0  }
0xe7: {  	p1 =	sne.s32 s21, $0x1;
	[sflag:s9] =	ssyncadd.s32 $0xFFFF2000  }
0xe8: {  	[hbm4b:s3+s2] =	stream.linear.scatter [tilespmem:s7], [sflag:$0x4], $0xE000, $0x38;
	[tilespmem:$0x1C080] =	vst v63  }
.Ltmp2:
0xe9: {  	_ =	swait.ge [sflag:s6], $0xE000;
	(pc) =	sbr.rel @p1 .LBB2_2-.Ltmp2, $4  }
0xea: {  	[sflag:s6] =	ssyncset.done $0x0  }
0xeb: {  	[sflag:s6] =	ssyncadd.s32 $0xFFFF2000  }
0xec: {  	_ =	swait.ge [sflag:s4], $0xE000  }
0xed: {  	s21 =	sadd.s32 $0xFFFFFFFF, s21;
	s22 =	rddreg [dreg:$0x5];
	[sflag:s4] =	ssyncset.done $0x0  }
.LBB2_3:
0xee: {  	[sflag:s4] =	ssyncadd.s32 @p0 $0xFFFF2000  }
0xef: {  	[tilespmem:s2], [sflag:$0x5] =	stream.linear.gather [hbm4b:s22+s2], $0x80, $0x38;
	[tilespmem:$0x1C080] =	vst v63  }
0xf0: {  	_ =	swait.ge [sflag:s20], $0x80  }
0xf1: {  	[sflag:s20] =	ssyncset.done $0x0  }
0xf2: {  	[sflag:s20] =	ssyncadd.s32 $0xFFFFFF80  }
0xf3: {  	v0 =	vld [tilespmem:$0x0];
	_ =	sdelay $0x4  }
0xf4: {  	v0 =	vmul.u32 $0xE000, v0;
	_ =	sdelay $0x1  }
0xf5: {  	s28 =	rddreg [dreg:$0x4];
	v0 =	vshrl.u32 v0, $0x3  }
0xf6: {  	v0 =	vadd.s32 s28, v0  }
0xf7: {  	(v2sf) =	vpush v0, $0x0;
	_ =	sdelay $0x1  }
0xf8: {  	(v2sf) =	vpush v0, $0x1;
	_ =	sdelay $0x9  }
0xf9: {  	(v2sf) =	vpush v0, $0x2;
	_ =	sdelay $0x2  }
0xfa: {  	s29 =	spop (v2sf)  }
0xfb: {  	[tilespmem:s8], [sflag:$0x1] =	stream.linear.gather [hbm4b:s29+s2], $0xE000, $0x38;
	[tilespmem:$0x1C080] =	vst v63  }
0xfc: {  	s30 =	spop (v2sf)  }
0xfd: {  	[tilespmem:s7], [sflag:$0x2] =	stream.linear.gather [hbm4b:s30+s2], $0xE000, $0x38;
	[tilespmem:$0x1C080] =	vst v63  }
0xfe: {  	_ =	swait.ge [sflag:s10], $0xE000  }
0xff: {  	(v2sf) =	vpush v0, $0x3;
	_ =	sdelay $0x1  }
0x100: {  	[sflag:s10] =	ssyncset.done $0x0  }
0x101: {  	s31 =	rddreg [dreg:$0x6];
	[sflag:s10] =	ssyncadd.s32 $0xFFFF2000  }
0x102: {  	[hbm4b:s31+s2] =	stream.linear.scatter [tilespmem:s8], [sflag:$0x3], $0xE000, $0x38;
	[tilespmem:$0x1C080] =	vst v63  }
0x103: {  	_ =	swait.ge [sflag:s6], $0xE000  }
0x104: {  	[sflag:s6] =	ssyncset.done $0x0  }
0x105: {  	s21 =	spop (v2sf);
	[sflag:s6] =	ssyncadd.s32 $0xFFFF2000  }
0x106: {  	(v2sf) =	vpush v0, $0x4;
	[tilespmem:s8], [sflag:$0x1] =	stream.linear.gather [hbm4b:s21+s2], $0xE000, $0x38;
	[tilespmem:$0x1C080] =	vst v63  }
0x107: {  	_ =	swait.ge [sflag:s9], $0xE000  }
0x108: {  	[sflag:s9] =	ssyncset.done $0x0  }
0x109: {  	[sflag:s9] =	ssyncadd.s32 $0xFFFF2000  }
0x10a: {  	[hbm4b:s19+s2] =	stream.linear.scatter [tilespmem:s7], [sflag:$0x4], $0xE000, $0x38;
	[tilespmem:$0x1C080] =	vst v63  }
0x10b: {  	_ =	swait.ge [sflag:s4], $0xE000  }
0x10c: {  	[sflag:s4] =	ssyncset.done $0x0  }
0x10d: {  	[sflag:s4] =	ssyncadd.s32 $0xFFFF2000;
	s22 =	spop (v2sf)  }
0x10e: {  	(v2sf) =	vpush v0, $0x5;
	[tilespmem:s7], [sflag:$0x2] =	stream.linear.gather [hbm4b:s22+s2], $0xE000, $0x38;
	[tilespmem:$0x1C080] =	vst v63  }
0x10f: {  	_ =	swait.ge [sflag:s10], $0xE000  }
0x110: {  	[sflag:s10] =	ssyncset.done $0x0  }
0x111: {  	[sflag:s10] =	ssyncadd.s32 $0xFFFF2000  }
0x112: {  	[hbm4b:s18+s2] =	stream.linear.scatter [tilespmem:s8], [sflag:$0x3], $0xE000, $0x38;
	[tilespmem:$0x1C080] =	vst v63  }
0x113: {  	_ =	swait.ge [sflag:s6], $0xE000  }
0x114: {  	[sflag:s6] =	ssyncset.done $0x0  }
0x115: {  	s23 =	spop (v2sf);
	[sflag:s6] =	ssyncadd.s32 $0xFFFF2000  }
0x116: {  	(v2sf) =	vpush v0, $0x6;
	[tilespmem:s8], [sflag:$0x1] =	stream.linear.gather [hbm4b:s23+s2], $0xE000, $0x38;
	[tilespmem:$0x1C080] =	vst v63  }
0x117: {  	_ =	swait.ge [sflag:s9], $0xE000  }
0x118: {  	[sflag:s9] =	ssyncset.done $0x0  }
0x119: {  	[sflag:s9] =	ssyncadd.s32 $0xFFFF2000  }
0x11a: {  	[hbm4b:s17+s2] =	stream.linear.scatter [tilespmem:s7], [sflag:$0x4], $0xE000, $0x38;
	[tilespmem:$0x1C080] =	vst v63  }
0x11b: {  	_ =	swait.ge [sflag:s4], $0xE000  }
0x11c: {  	[sflag:s4] =	ssyncset.done $0x0  }
0x11d: {  	s24 =	spop (v2sf);
	[sflag:s4] =	ssyncadd.s32 $0xFFFF2000  }
0x11e: {  	(v2sf) =	vpush v0, $0x7;
	[tilespmem:s7], [sflag:$0x2] =	stream.linear.gather [hbm4b:s24+s2], $0xE000, $0x38;
	[tilespmem:$0x1C080] =	vst v63  }
0x11f: {  	_ =	swait.ge [sflag:s10], $0xE000  }
0x120: {  	[sflag:s10] =	ssyncset.done $0x0  }
0x121: {  	[sflag:s10] =	ssyncadd.s32 $0xFFFF2000  }
0x122: {  	[hbm4b:s16+s2] =	stream.linear.scatter [tilespmem:s8], [sflag:$0x3], $0xE000, $0x38;
	[tilespmem:$0x1C080] =	vst v63  }
0x123: {  	_ =	swait.ge [sflag:s6], $0xE000  }
0x124: {  	[sflag:s6] =	ssyncset.done $0x0  }
0x125: {  	s25 =	spop (v2sf);
	[sflag:s6] =	ssyncadd.s32 $0xFFFF2000  }
0x126: {  	(v2sf) =	vpush v0, $0x8;
	[tilespmem:s8], [sflag:$0x1] =	stream.linear.gather [hbm4b:s25+s2], $0xE000, $0x38;
	[tilespmem:$0x1C080] =	vst v63  }
0x127: {  	_ =	swait.ge [sflag:s9], $0xE000  }
0x128: {  	[sflag:s9] =	ssyncset.done $0x0  }
0x129: {  	[sflag:s9] =	ssyncadd.s32 $0xFFFF2000  }
0x12a: {  	[hbm4b:s15+s2] =	stream.linear.scatter [tilespmem:s7], [sflag:$0x4], $0xE000, $0x38;
	[tilespmem:$0x1C080] =	vst v63  }
0x12b: {  	_ =	swait.ge [sflag:s4], $0xE000  }
0x12c: {  	[sflag:s4] =	ssyncset.done $0x0  }
0x12d: {  	s26 =	spop (v2sf);
	[sflag:s4] =	ssyncadd.s32 $0xFFFF2000  }
0x12e: {  	(v2sf) =	vpush v0, $0x9;
	[tilespmem:s7], [sflag:$0x2] =	stream.linear.gather [hbm4b:s26+s2], $0xE000, $0x38;
	[tilespmem:$0x1C080] =	vst v63  }
0x12f: {  	_ =	swait.ge [sflag:s10], $0xE000  }
0x130: {  	[sflag:s10] =	ssyncset.done $0x0  }
0x131: {  	[sflag:s10] =	ssyncadd.s32 $0xFFFF2000  }
0x132: {  	[hbm4b:s14+s2] =	stream.linear.scatter [tilespmem:s8], [sflag:$0x3], $0xE000, $0x38;
	[tilespmem:$0x1C080] =	vst v63  }
0x133: {  	_ =	swait.ge [sflag:s6], $0xE000  }
0x134: {  	[sflag:s6] =	ssyncset.done $0x0  }
0x135: {  	s28 =	spop (v2sf);
	[sflag:s6] =	ssyncadd.s32 $0xFFFF2000  }
0x136: {  	(v2sf) =	vpush v0, $0xA;
	[tilespmem:s8], [sflag:$0x1] =	stream.linear.gather [hbm4b:s28+s2], $0xE000, $0x38;
	[tilespmem:$0x1C080] =	vst v63  }
0x137: {  	_ =	swait.ge [sflag:s9], $0xE000  }
0x138: {  	[sflag:s9] =	ssyncset.done $0x0  }
0x139: {  	[sflag:s9] =	ssyncadd.s32 $0xFFFF2000  }
0x13a: {  	[hbm4b:s13+s2] =	stream.linear.scatter [tilespmem:s7], [sflag:$0x4], $0xE000, $0x38;
	[tilespmem:$0x1C080] =	vst v63  }
0x13b: {  	_ =	swait.ge [sflag:s4], $0xE000  }
0x13c: {  	[sflag:s4] =	ssyncset.done $0x0  }
0x13d: {  	s29 =	spop (v2sf);
	[sflag:s4] =	ssyncadd.s32 $0xFFFF2000  }
0x13e: {  	(v2sf) =	vpush v0, $0xB;
	[tilespmem:s7], [sflag:$0x2] =	stream.linear.gather [hbm4b:s29+s2], $0xE000, $0x38;
	[tilespmem:$0x1C080] =	vst v63  }
0x13f: {  	_ =	swait.ge [sflag:s10], $0xE000  }
0x140: {  	[sflag:s10] =	ssyncset.done $0x0  }
0x141: {  	[sflag:s10] =	ssyncadd.s32 $0xFFFF2000  }
0x142: {  	[hbm4b:s12+s2] =	stream.linear.scatter [tilespmem:s8], [sflag:$0x3], $0xE000, $0x38;
	[tilespmem:$0x1C080] =	vst v63  }
0x143: {  	_ =	swait.ge [sflag:s6], $0xE000  }
0x144: {  	[sflag:s6] =	ssyncset.done $0x0  }
0x145: {  	s30 =	spop (v2sf);
	[sflag:s6] =	ssyncadd.s32 $0xFFFF2000  }
0x146: {  	[tilespmem:s8], [sflag:$0x1] =	stream.linear.gather [hbm4b:s30+s2], $0xE000, $0x38;
	[tilespmem:$0x1C080] =	vst v63  }
0x147: {  	_ =	swait.ge [sflag:s9], $0xE000  }
0x148: {  	[sflag:s9] =	ssyncset.done $0x0  }
0x149: {  	[sflag:s9] =	ssyncadd.s32 $0xFFFF2000  }
0x14a: {  	[hbm4b:s11+s2] =	stream.linear.scatter [tilespmem:s7], [sflag:$0x4], $0xE000, $0x38;
	[tilespmem:$0x1C080] =	vst v63  }
0x14b: {  	_ =	swait.ge [sflag:s4], $0xE000  }
0x14c: {  	[sflag:s4] =	ssyncset.done $0x0  }
0x14d: {  	s31 =	spop (v2sf);
	[sflag:s4] =	ssyncadd.s32 $0xFFFF2000  }
0x14e: {  	[tilespmem:s7], [sflag:$0x2] =	stream.linear.gather [hbm4b:s31+s2], $0xE000, $0x38;
	[tilespmem:$0x1C080] =	vst v63  }
0x14f: {  	_ =	swait.ge [sflag:s10], $0xE000  }
0x150: {  	[sflag:s10] =	ssyncset.done $0x0  }
0x151: {  	[sflag:s10] =	ssyncadd.s32 $0xFFFF2000  }
0x152: {  	[hbm4b:s5+s2] =	stream.linear.scatter [tilespmem:s8], [sflag:$0x3], $0xE000, $0x38;
	[tilespmem:$0x1C080] =	vst v63  }
0x153: {  	_ =	swait.ge [sflag:s9], $0xE000  }
0x154: {  	[sflag:s9] =	ssyncset.done $0x0  }
0x155: {  	[sflag:s9] =	ssyncadd.s32 $0xFFFF2000  }
0x156: {  	[hbm4b:s3+s2] =	stream.linear.scatter [tilespmem:s7], [sflag:$0x4], $0xE000, $0x38;
	[tilespmem:$0x1C080] =	vst v63  }
0x157: {  	_ =	swait.ge [sflag:s6], $0xE000  }
0x158: {  	[sflag:s6] =	ssyncset.done $0x0  }
0x159: {  	[sflag:s6] =	ssyncadd.s32 $0xFFFF2000  }
0x15a: {  	_ =	swait.ge [sflag:s4], $0xE000  }
0x15b: {  	[sflag:s4] =	ssyncset.done $0x0  }
0x15c: {  	[sflag:s4] =	ssyncadd.s32 $0xFFFF2000  }
0x15d: {  	_ =	sfence.sel $0x180000  }
0x15e: {  	[bflag:$0x0] =	sbarrier.arrive $0xFFFF  }
0x15f: {  	p0 =	sne.s32 s1, $0x0;
	_ =	strace $0x90000047  }
0x160: {  	s0 =	sadd.s32 @!p0 $0x100000, s0;
	[bflag:$0x2] =	sbarrier.arrive $0xFFFF  }
0x161: {  	[sflag:s0] =	ssyncadd.tile.s32 @!p0 $0x1;
	_ =	shalt  }
.Lfunc_end2:
_tile_overlayer_lowered:
.L_overlay_start_2:
0x162: {  	(tag) =	ssettag $0x2  }
0x163: {  	s0 =	rddreg [dreg:$0x0];
	s2 =	stileid.u32  }
0x164: {  	s1 =	rddreg [dreg:$0x1];
	p0 =	sne.s32 s2, $0x0  }
0x165: {  	s3 =	rddreg [dreg:$0x2];
	[bflag:$0x3] =	sbarrier.arrive $0xFFFF;
	s2 =	simm.s32 @!p0 $0x1C05  }
0x166: {  	[timem:s3], [sflag:s2] =	dma.local @!p0 [hbm:s0], s1  }
0x167: {  	s0 =	simm.s32 @!p0 $0x5  }
0x168: {  	_ =	swait.ge @!p0 [sflag:s0], s1  }
0x169: {  	s1 =	ssub.s32 @!p0 $0x0, s1;
	[sflag:s0] =	ssyncset.done @!p0 $0x0  }
0x16a: {  	[sflag:s0] =	ssyncadd.s32 @!p0 s1  }
0x16b: {  	[bflag:$0x3] =	sbarrier.arrive $0xFFFF  }
0x16c: {  	_ =	shalt  }

</sc_bundles>
